<compile_context>
chip_gen: v7x
topology: tpu7x:2x2x1
jax: 0.10.2.dev20260603
libtpu: 0.0.44.dev20260713+nightly
codegen_flags: <defaults>
</compile_context>

<pallas_src>
import functools

import jax
import jax.numpy as jnp
from jax import lax
from jax.experimental import pallas as pl
from jax.experimental.pallas import tpu as pltpu
from jax.experimental.pallas import tpu_sc as plsc

_XMIN = -6.0
_XMAX = 6.0

_NC = 2
_NS = 16
_LANES = 16
_NW = _NC * _NS

_ROWS = 8
_COLS = 4096
_CHUNK = _ROWS * _COLS
_NBUF = 3


def _make_sc_kernel(n_table: int, n_stripes: int):
    per_worker = n_stripes // _NW
    scale = float((n_table - 1) / (_XMAX - _XMIN))
    bias = float(-_XMIN * scale)
    idx_max = float(n_table - 2)

    mesh = plsc.VectorSubcoreMesh(
        core_axis_name="c", subcore_axis_name="s",
        num_cores=_NC, num_subcores=_NS)

    @functools.partial(
        pl.kernel,
        out_type=jax.ShapeDtypeStruct((n_stripes, _ROWS, _COLS), jnp.float32),
        mesh=mesh,
        scratch_types=[
            pltpu.VMEM((64,), jnp.int32),
            pltpu.VMEM((_ROWS, _COLS), jnp.float32),
            pltpu.VMEM((_ROWS, _COLS), jnp.float32),
            pltpu.VMEM((_ROWS, _COLS), jnp.float32),
            pltpu.SemaphoreType.DMA,
            pltpu.SemaphoreType.DMA,
            pltpu.SemaphoreType.DMA,
            pltpu.SemaphoreType.DMA,
            pltpu.SemaphoreType.DMA,
            pltpu.SemaphoreType.DMA,
            pltpu.SemaphoreType.DMA,
        ],
        compiler_params=pltpu.CompilerParams(needs_layout_passes=False),
    )
    def lut_kernel(x_hbm, p_hbm, o_hbm, p_v, b0, b1, b2,
                   is0, is1, is2, os0, os1, os2, tsem):
        bufs = (b0, b1, b2)
        isems = (is0, is1, is2)
        osems = (os0, os1, os2)

        wid = lax.axis_index("s") * _NC + lax.axis_index("c")
        base = wid * per_worker

        pltpu.async_copy(p_hbm, p_v, tsem).wait()

        def load(k, b):
            pltpu.async_copy(x_hbm.at[base + k], bufs[b], isems[b])

        def wait_load(k, b):
            pltpu.make_async_copy(x_hbm.at[base + k], bufs[b], isems[b]).wait()

        def store(k, b):
            pltpu.async_copy(bufs[b], o_hbm.at[base + k], osems[b])

        def wait_store(k, b):
            pltpu.make_async_copy(bufs[b], o_hbm.at[base + k], osems[b]).wait()

        n_vecs_per_row = _COLS // _LANES

        def compute(b):
            buf = bufs[b]

            @plsc.parallel_loop(0, _ROWS * n_vecs_per_row, unroll=8)
            def _(j):
                i = lax.shift_right_logical(j, 8)
                sl = pl.ds(lax.shift_left(j & (n_vecs_per_row - 1), 4),
                           _LANES)
                xv = buf[i, sl]
                t = jnp.clip(xv * scale + bias, 0.0, idx_max)
                pv = plsc.load_gather(p_v, [t.astype(jnp.int32)])
                cv = plsc.bitcast(pv, jnp.float32)
                sv = plsc.bitcast(lax.shift_left(pv, 16), jnp.float32)
                buf[i, sl] = sv * xv
                plsc.addupdate(buf.at[i, sl], cv)

        load(0, 0)
        load(1, 1)
        wait_load(0, 0)
        compute(0)
        store(0, 0)
        load(2, 2)

        n_groups = (per_worker - 1) // _NBUF

        def group_body(g, carry):
            for dk in (1, 2, 3):
                k = g * _NBUF + dk
                b = dk % _NBUF
                wait_load(k, b)
                compute(b)
                store(k, b)
                b2 = (dk + 2) % _NBUF
                wait_store(k - 1, b2)
                if dk == 1:
                    load(k + 2, b2)
                else:
                    @pl.when(g < n_groups - 1)
                    def _():
                        load(k + 2, b2)
            return carry

        lax.fori_loop(0, n_groups, group_body, jnp.int32(0))

        last = per_worker - 1
        wait_store(last, last % _NBUF)

    return lut_kernel


def kernel(x, y):
    n_table = y.shape[0]
    total = x.size
    n_stripes = total // _CHUNK
    assert total % (_CHUNK * _NW) == 0
    assert (n_stripes // _NW - 1) % _NBUF == 0
    x_view = x.reshape(n_stripes, _ROWS, _COLS)
    cell = (_XMAX - _XMIN) / (n_table - 1)
    grid = _XMIN + cell * jnp.arange(n_table - 1, dtype=jnp.float32)
    s = (y[1:] - y[:-1]) * jnp.float32(1.0 / cell)
    c = y[:-1] - s * grid
    cb = jax.lax.bitcast_convert_type(
        c.astype(jnp.bfloat16), jnp.uint16).astype(jnp.uint32)
    sb = jax.lax.bitcast_convert_type(
        s.astype(jnp.bfloat16), jnp.uint16).astype(jnp.uint32)
    packed = jax.lax.bitcast_convert_type(
        jnp.left_shift(cb, 16) | sb, jnp.int32)
    out = _make_sc_kernel(n_table, n_stripes)(x_view, packed)
    return out.reshape(x.shape)

# --- scband reference (transcript-rebuilt; emitter-appended) ---
"""Pipeline reference for scband-learned-lu-49134425866905 (READ-ONLY COPY).

The authoritative reference and input builder live on the scoring server;
editing this copy changes nothing except your own understanding.
"""

import jax, jax.numpy as jnp
import numpy as np

XMIN = -6.0
XMAX = 6.0


def setup_inputs(seed: int = 0) -> dict:
    key = jax.random.key(seed)
    k1, = jax.random.split(key, 1)
    x = jax.random.normal(k1, (2, 8192, 4096), dtype=jnp.float32)
    # learned lookup table: ReLU sampled on linspace(xmin, xmax, 65)
    grid = jnp.linspace(XMIN, XMAX, 65, dtype=jnp.float32)
    y = jnp.maximum(grid, 0.0)
    return {"x": x, "y": y}


def reference(x, y):
    # LearnedLU / LU._sample_lerp: piecewise-linear interpolation of table y over [xmin, xmax]
    n = y.shape[0]
    x_flat = x.reshape(-1)
    t = (x_flat - XMIN) / (XMAX - XMIN) * (n - 1)
    min_index = jnp.clip(jnp.floor(t).astype(jnp.int32), 0, n - 2)
    min_y = jnp.take(y, min_index, axis=0)
    max_y = jnp.take(y, min_index + 1, axis=0)
    frac = t - min_index.astype(t.dtype)
    res = min_y + (max_y - min_y) * frac
    return res.reshape(x.shape)

if __name__ == "__main__":
    import jax
    _d = setup_inputs()
    print(jax.jit(kernel)(*tuple(_d.values())))

</pallas_src>

<mosaic_0001>
#map = affine_map<(d0, d1) -> (0, 0, 0)>
#map1 = affine_map<(d0, d1) -> (0)>
module attributes {stable_mosaic.version = 14 : i64} {
  func.func @lut_kernel(%arg0: i32, %arg1: i32, %arg2: memref<2048x8x4096xf32, #tpu.memory_space<hbm>>, %arg3: memref<64xi32, #tpu.memory_space<hbm>>, %arg4: memref<2048x8x4096xf32, #tpu.memory_space<hbm>>, %arg5: memref<64xi32, #tpu.memory_space<vmem>>, %arg6: memref<8x4096xf32, #tpu.memory_space<vmem>>, %arg7: memref<8x4096xf32, #tpu.memory_space<vmem>>, %arg8: memref<8x4096xf32, #tpu.memory_space<vmem>>, %arg9: memref<!tpu.dma_semaphore, #tpu.memory_space<semaphore_mem>>, %arg10: memref<!tpu.dma_semaphore, #tpu.memory_space<semaphore_mem>>, %arg11: memref<!tpu.dma_semaphore, #tpu.memory_space<semaphore_mem>>, %arg12: memref<!tpu.dma_semaphore, #tpu.memory_space<semaphore_mem>>, %arg13: memref<!tpu.dma_semaphore, #tpu.memory_space<semaphore_mem>>, %arg14: memref<!tpu.dma_semaphore, #tpu.memory_space<semaphore_mem>>, %arg15: memref<!tpu.dma_semaphore, #tpu.memory_space<semaphore_mem>>) attributes {dimension_semantics = [#tpu.dimension_semantics<core_parallel>, #tpu.dimension_semantics<subcore_parallel>], iteration_bounds = array<i64: 2, 16>, scalar_prefetch = 0 : i64, scratch_operands = 11 : i64, tpu.core_type = #tpu.core_type<sc_vector_subcore>, window_params = [{transform_indices = #map}, {transform_indices = #map1}, {transform_indices = #map}]} {
    %mul3A = arith.constant 2 : i32
    %mul3A_0 = arith.muli %arg1, %mul3A : i32
    %add3A = arith.addi %mul3A_0, %arg0 : i32
    %mul3A_1 = arith.constant 64 : i32
    %mul3A_2 = arith.muli %add3A, %mul3A_1 : i32
    tpu.enqueue_dma source(%arg3 : memref<64xi32, #tpu.memory_space<hbm>>) target(%arg5 : memref<64xi32, #tpu.memory_space<vmem>>) target_semaphore(%arg15 : memref<!tpu.dma_semaphore, #tpu.memory_space<semaphore_mem>>)
    tpu.wait_dma2 semaphore(%arg15 : memref<!tpu.dma_semaphore, #tpu.memory_space<semaphore_mem>>) src(%arg3 : memref<64xi32, #tpu.memory_space<hbm>>) dst(%arg5 : memref<64xi32, #tpu.memory_space<vmem>>)
    %add3A_3 = arith.constant 0 : i32
    %add3A_4 = arith.addi %mul3A_2, %add3A_3 : i32
    %dma_start3A = arith.constant 0 : i32
    %dma_start3A_5 = arith.constant 0 : i32
    %dma_start3A_6 = tpu.memref_slice %arg2[%add3A_4, %dma_start3A, %dma_start3A_5] : memref<2048x8x4096xf32, #tpu.memory_space<hbm>> -> memref<1x8x4096xf32, #tpu.memory_space<hbm>>
    %dma_start3A_7 = tpu.memref_squeeze %dma_start3A_6 : memref<1x8x4096xf32, #tpu.memory_space<hbm>> -> memref<8x4096xf32, #tpu.memory_space<hbm>>
    %dma_start3A_8 = arith.constant 0 : i32
    %dma_start3A_9 = arith.constant 0 : i32
    %dma_start3A_10 = tpu.memref_slice %arg2[%add3A_4, %dma_start3A_8, %dma_start3A_9] : memref<2048x8x4096xf32, #tpu.memory_space<hbm>> -> memref<1x8x4096xf32, #tpu.memory_space<hbm>>
    %dma_start3A_11 = tpu.memref_squeeze %dma_start3A_10 : memref<1x8x4096xf32, #tpu.memory_space<hbm>> -> memref<8x4096xf32, #tpu.memory_space<hbm>>
    tpu.enqueue_dma source(%dma_start3A_11 : memref<8x4096xf32, #tpu.memory_space<hbm>>) target(%arg6 : memref<8x4096xf32, #tpu.memory_space<vmem>>) target_semaphore(%arg9 : memref<!tpu.dma_semaphore, #tpu.memory_space<semaphore_mem>>)
    %add3A_12 = arith.constant 1 : i32
    %add3A_13 = arith.addi %mul3A_2, %add3A_12 : i32
    %dma_start3A_14 = arith.constant 0 : i32
    %dma_start3A_15 = arith.constant 0 : i32
    %dma_start3A_16 = tpu.memref_slice %arg2[%add3A_13, %dma_start3A_14, %dma_start3A_15] : memref<2048x8x4096xf32, #tpu.memory_space<hbm>> -> memref<1x8x4096xf32, #tpu.memory_space<hbm>>
    %dma_start3A_17 = tpu.memref_squeeze %dma_start3A_16 : memref<1x8x4096xf32, #tpu.memory_space<hbm>> -> memref<8x4096xf32, #tpu.memory_space<hbm>>
    %dma_start3A_18 = arith.constant 0 : i32
    %dma_start3A_19 = arith.constant 0 : i32
    %dma_start3A_20 = tpu.memref_slice %arg2[%add3A_13, %dma_start3A_18, %dma_start3A_19] : memref<2048x8x4096xf32, #tpu.memory_space<hbm>> -> memref<1x8x4096xf32, #tpu.memory_space<hbm>>
    %dma_start3A_21 = tpu.memref_squeeze %dma_start3A_20 : memref<1x8x4096xf32, #tpu.memory_space<hbm>> -> memref<8x4096xf32, #tpu.memory_space<hbm>>
    tpu.enqueue_dma source(%dma_start3A_21 : memref<8x4096xf32, #tpu.memory_space<hbm>>) target(%arg7 : memref<8x4096xf32, #tpu.memory_space<vmem>>) target_semaphore(%arg10 : memref<!tpu.dma_semaphore, #tpu.memory_space<semaphore_mem>>)
    %add3A_22 = arith.constant 0 : i32
    %add3A_23 = arith.addi %mul3A_2, %add3A_22 : i32
    %dma_wait3A = arith.constant 0 : i32
    %dma_wait3A_24 = arith.constant 0 : i32
    %dma_wait3A_25 = tpu.memref_slice %arg2[%add3A_23, %dma_wait3A, %dma_wait3A_24] : memref<2048x8x4096xf32, #tpu.memory_space<hbm>> -> memref<1x8x4096xf32, #tpu.memory_space<hbm>>
    %dma_wait3A_26 = tpu.memref_squeeze %dma_wait3A_25 : memref<1x8x4096xf32, #tpu.memory_space<hbm>> -> memref<8x4096xf32, #tpu.memory_space<hbm>>
    %dma_wait3A_27 = arith.constant 0 : i32
    %dma_wait3A_28 = arith.constant 0 : i32
    %dma_wait3A_29 = tpu.memref_slice %arg2[%add3A_23, %dma_wait3A_27, %dma_wait3A_28] : memref<2048x8x4096xf32, #tpu.memory_space<hbm>> -> memref<1x8x4096xf32, #tpu.memory_space<hbm>>
    %dma_wait3A_30 = tpu.memref_squeeze %dma_wait3A_29 : memref<1x8x4096xf32, #tpu.memory_space<hbm>> -> memref<8x4096xf32, #tpu.memory_space<hbm>>
    tpu.wait_dma2 semaphore(%arg9 : memref<!tpu.dma_semaphore, #tpu.memory_space<semaphore_mem>>) src(%dma_wait3A_30 : memref<8x4096xf32, #tpu.memory_space<hbm>>) dst(%arg6 : memref<8x4096xf32, #tpu.memory_space<vmem>>)
    %parallel_loop3A = arith.constant 0 : i32
    %parallel_loop3A_31 = arith.constant 2048 : i32
    %parallel_loop3A_32 = arith.constant 1 : i32
    scf.for %parallel_loop3A_68 = %parallel_loop3A to %parallel_loop3A_31 step %parallel_loop3A_32  : i32 {
      %parallel_loop3A_69 = arith.constant 8 : i32
      %parallel_loop3A_70 = arith.shrui %parallel_loop3A_68, %parallel_loop3A_69 : i32
      %parallel_loop3A_71 = arith.constant 255 : i32
      %parallel_loop3A_72 = arith.andi %parallel_loop3A_68, %parallel_loop3A_71 : i32
      %parallel_loop3A_73 = arith.constant 4 : i32
      %parallel_loop3A_74 = arith.shli %parallel_loop3A_72, %parallel_loop3A_73 : i32
      %parallel_loop3A_75 = arith.index_cast %parallel_loop3A_70 : i32 to index
      %parallel_loop3A_76 = arith.index_cast %parallel_loop3A_74 : i32 to index
      %parallel_loop3A_77 = tpu.vector_load %arg6[%parallel_loop3A_75, %parallel_loop3A_76] {strides = array<i32>} : memref<8x4096xf32, #tpu.memory_space<vmem>>, vector<16xf32>,
      %parallel_loop3A_78 = arith.constant 5.33333349 : f32
      %parallel_loop3A_79 = vector.broadcast %parallel_loop3A_78 : f32 to vector<16xf32>
      %parallel_loop3A_80 = arith.mulf %parallel_loop3A_77, %parallel_loop3A_79 : vector<16xf32>
      %parallel_loop3A_81 = arith.constant 3.200000e+01 : f32
      %parallel_loop3A_82 = vector.broadcast %parallel_loop3A_81 : f32 to vector<16xf32>
      %parallel_loop3A_83 = arith.addf %parallel_loop3A_80, %parallel_loop3A_82 : vector<16xf32>
      %parallel_loop3A_84 = arith.constant 0.000000e+00 : f32
      %parallel_loop3A_85 = arith.constant 6.300000e+01 : f32
      %parallel_loop3A_86 = vector.broadcast %parallel_loop3A_84 : f32 to vector<16xf32>
      %parallel_loop3A_87 = arith.maximumf %parallel_loop3A_86, %parallel_loop3A_83 : vector<16xf32>
      %parallel_loop3A_88 = vector.broadcast %parallel_loop3A_85 : f32 to vector<16xf32>
      %parallel_loop3A_89 = arith.minimumf %parallel_loop3A_88, %parallel_loop3A_87 : vector<16xf32>
      %parallel_loop3A_90 = arith.fptosi %parallel_loop3A_89 : vector<16xf32> to vector<16xi32>
      %parallel_loop3A_91 = tpu.vector_load_idx %arg5[%parallel_loop3A_90] : memref<64xi32, #tpu.memory_space<vmem>>[vector<16xi32>], vector<16xi32>,
      %parallel_loop3A_92 = vector.bitcast %parallel_loop3A_91 : vector<16xi32> to vector<16xf32>
      %parallel_loop3A_93 = arith.constant 16 : i32
      %parallel_loop3A_94 = vector.broadcast %parallel_loop3A_93 : i32 to vector<16xi32>
      %parallel_loop3A_95 = arith.shli %parallel_loop3A_91, %parallel_loop3A_94 : vector<16xi32>
      %parallel_loop3A_96 = vector.bitcast %parallel_loop3A_95 : vector<16xi32> to vector<16xf32>
      %parallel_loop3A_97 = arith.mulf %parallel_loop3A_96, %parallel_loop3A_77 : vector<16xf32>
      %parallel_loop3A_98 = arith.index_cast %parallel_loop3A_70 : i32 to index
      %parallel_loop3A_99 = arith.index_cast %parallel_loop3A_74 : i32 to index
      %parallel_loop3A_100 = tpu.vector_load %arg6[%parallel_loop3A_98, %parallel_loop3A_99] {strides = array<i32>} : memref<8x4096xf32, #tpu.memory_space<vmem>>, vector<16xf32>,
      tpu.vector_store %arg6[%parallel_loop3A_98, %parallel_loop3A_99], %parallel_loop3A_97 {strides = array<i32>} : memref<8x4096xf32, #tpu.memory_space<vmem>>, vector<16xf32>,
      %parallel_loop3A_101 = arith.index_cast %parallel_loop3A_70 : i32 to index
      %parallel_loop3A_102 = arith.index_cast %parallel_loop3A_74 : i32 to index
      %parallel_loop3A_103 = tpu.vector_load %arg6[%parallel_loop3A_101, %parallel_loop3A_102] {strides = array<i32>} : memref<8x4096xf32, #tpu.memory_space<vmem>>, vector<16xf32>,
      tpu.vector_store %arg6[%parallel_loop3A_101, %parallel_loop3A_102], %parallel_loop3A_92 {add = true, strides = array<i32>} : memref<8x4096xf32, #tpu.memory_space<vmem>>, vector<16xf32>,
    } {sc.loop_unroll_factor = 8 : i64, sc.parallel_access}
    %add3A_33 = arith.constant 0 : i32
    %add3A_34 = arith.addi %mul3A_2, %add3A_33 : i32
    %dma_start3A_35 = arith.constant 0 : i32
    %dma_start3A_36 = arith.constant 0 : i32
    %dma_start3A_37 = tpu.memref_slice %arg4[%add3A_34, %dma_start3A_35, %dma_start3A_36] : memref<2048x8x4096xf32, #tpu.memory_space<hbm>> -> memref<1x8x4096xf32, #tpu.memory_space<hbm>>
    %dma_start3A_38 = tpu.memref_squeeze %dma_start3A_37 : memref<1x8x4096xf32, #tpu.memory_space<hbm>> -> memref<8x4096xf32, #tpu.memory_space<hbm>>
    %dma_start3A_39 = arith.constant 0 : i32
    %dma_start3A_40 = arith.constant 0 : i32
    %dma_start3A_41 = tpu.memref_slice %arg4[%add3A_34, %dma_start3A_39, %dma_start3A_40] : memref<2048x8x4096xf32, #tpu.memory_space<hbm>> -> memref<1x8x4096xf32, #tpu.memory_space<hbm>>
    %dma_start3A_42 = tpu.memref_squeeze %dma_start3A_41 : memref<1x8x4096xf32, #tpu.memory_space<hbm>> -> memref<8x4096xf32, #tpu.memory_space<hbm>>
    tpu.enqueue_dma source(%arg6 : memref<8x4096xf32, #tpu.memory_space<vmem>>) target(%dma_start3A_42 : memref<8x4096xf32, #tpu.memory_space<hbm>>) target_semaphore(%arg12 : memref<!tpu.dma_semaphore, #tpu.memory_space<semaphore_mem>>)
    %add3A_43 = arith.constant 2 : i32
    %add3A_44 = arith.addi %mul3A_2, %add3A_43 : i32
    %dma_start3A_45 = arith.constant 0 : i32
    %dma_start3A_46 = arith.constant 0 : i32
    %dma_start3A_47 = tpu.memref_slice %arg2[%add3A_44, %dma_start3A_45, %dma_start3A_46] : memref<2048x8x4096xf32, #tpu.memory_space<hbm>> -> memref<1x8x4096xf32, #tpu.memory_space<hbm>>
    %dma_start3A_48 = tpu.memref_squeeze %dma_start3A_47 : memref<1x8x4096xf32, #tpu.memory_space<hbm>> -> memref<8x4096xf32, #tpu.memory_space<hbm>>
    %dma_start3A_49 = arith.constant 0 : i32
    %dma_start3A_50 = arith.constant 0 : i32
    %dma_start3A_51 = tpu.memref_slice %arg2[%add3A_44, %dma_start3A_49, %dma_start3A_50] : memref<2048x8x4096xf32, #tpu.memory_space<hbm>> -> memref<1x8x4096xf32, #tpu.memory_space<hbm>>
    %dma_start3A_52 = tpu.memref_squeeze %dma_start3A_51 : memref<1x8x4096xf32, #tpu.memory_space<hbm>> -> memref<8x4096xf32, #tpu.memory_space<hbm>>
    tpu.enqueue_dma source(%dma_start3A_52 : memref<8x4096xf32, #tpu.memory_space<hbm>>) target(%arg8 : memref<8x4096xf32, #tpu.memory_space<vmem>>) target_semaphore(%arg11 : memref<!tpu.dma_semaphore, #tpu.memory_space<semaphore_mem>>)
    %scan3A = arith.constant 0 : i32
    %scan3A_53 = arith.constant 0 : i32
    %scan3A_54 = arith.constant 21 : i32
    %scan3A_55 = arith.addi %scan3A_53, %scan3A_54 : i32
    %scan3A_56 = arith.constant 1 : i32
    scf.for %scan3A_68 = %scan3A_53 to %scan3A_55 step %scan3A_56  : i32 {
      %mul3A_69 = arith.constant 3 : i32
      %mul3A_70 = arith.muli %scan3A_68, %mul3A_69 : i32
      %add3A_71 = arith.constant 1 : i32
      %add3A_72 = arith.addi %mul3A_70, %add3A_71 : i32
      %add3A_73 = arith.addi %mul3A_2, %add3A_72 : i32
      %dma_wait3A_74 = arith.constant 0 : i32
      %dma_wait3A_75 = arith.constant 0 : i32
      %dma_wait3A_76 = tpu.memref_slice %arg2[%add3A_73, %dma_wait3A_74, %dma_wait3A_75] : memref<2048x8x4096xf32, #tpu.memory_space<hbm>> -> memref<1x8x4096xf32, #tpu.memory_space<hbm>>
      %dma_wait3A_77 = tpu.memref_squeeze %dma_wait3A_76 : memref<1x8x4096xf32, #tpu.memory_space<hbm>> -> memref<8x4096xf32, #tpu.memory_space<hbm>>
      %dma_wait3A_78 = arith.constant 0 : i32
      %dma_wait3A_79 = arith.constant 0 : i32
      %dma_wait3A_80 = tpu.memref_slice %arg2[%add3A_73, %dma_wait3A_78, %dma_wait3A_79] : memref<2048x8x4096xf32, #tpu.memory_space<hbm>> -> memref<1x8x4096xf32, #tpu.memory_space<hbm>>
      %dma_wait3A_81 = tpu.memref_squeeze %dma_wait3A_80 : memref<1x8x4096xf32, #tpu.memory_space<hbm>> -> memref<8x4096xf32, #tpu.memory_space<hbm>>
      tpu.wait_dma2 semaphore(%arg10 : memref<!tpu.dma_semaphore, #tpu.memory_space<semaphore_mem>>) src(%dma_wait3A_81 : memref<8x4096xf32, #tpu.memory_space<hbm>>) dst(%arg7 : memref<8x4096xf32, #tpu.memory_space<vmem>>)
      %parallel_loop3A_82 = arith.constant 0 : i32
      %parallel_loop3A_83 = arith.constant 2048 : i32
      %parallel_loop3A_84 = arith.constant 1 : i32
      scf.for %parallel_loop3A_194 = %parallel_loop3A_82 to %parallel_loop3A_83 step %parallel_loop3A_84  : i32 {
        %parallel_loop3A_195 = arith.constant 8 : i32
        %parallel_loop3A_196 = arith.shrui %parallel_loop3A_194, %parallel_loop3A_195 : i32
        %parallel_loop3A_197 = arith.constant 255 : i32
        %parallel_loop3A_198 = arith.andi %parallel_loop3A_194, %parallel_loop3A_197 : i32
        %parallel_loop3A_199 = arith.constant 4 : i32
        %parallel_loop3A_200 = arith.shli %parallel_loop3A_198, %parallel_loop3A_199 : i32
        %parallel_loop3A_201 = arith.index_cast %parallel_loop3A_196 : i32 to index
        %parallel_loop3A_202 = arith.index_cast %parallel_loop3A_200 : i32 to index
        %parallel_loop3A_203 = tpu.vector_load %arg7[%parallel_loop3A_201, %parallel_loop3A_202] {strides = array<i32>} : memref<8x4096xf32, #tpu.memory_space<vmem>>, vector<16xf32>,
        %parallel_loop3A_204 = arith.constant 5.33333349 : f32
        %parallel_loop3A_205 = vector.broadcast %parallel_loop3A_204 : f32 to vector<16xf32>
        %parallel_loop3A_206 = arith.mulf %parallel_loop3A_203, %parallel_loop3A_205 : vector<16xf32>
        %parallel_loop3A_207 = arith.constant 3.200000e+01 : f32
        %parallel_loop3A_208 = vector.broadcast %parallel_loop3A_207 : f32 to vector<16xf32>
        %parallel_loop3A_209 = arith.addf %parallel_loop3A_206, %parallel_loop3A_208 : vector<16xf32>
        %parallel_loop3A_210 = arith.constant 0.000000e+00 : f32
        %parallel_loop3A_211 = arith.constant 6.300000e+01 : f32
        %parallel_loop3A_212 = vector.broadcast %parallel_loop3A_210 : f32 to vector<16xf32>
        %parallel_loop3A_213 = arith.maximumf %parallel_loop3A_212, %parallel_loop3A_209 : vector<16xf32>
        %parallel_loop3A_214 = vector.broadcast %parallel_loop3A_211 : f32 to vector<16xf32>
        %parallel_loop3A_215 = arith.minimumf %parallel_loop3A_214, %parallel_loop3A_213 : vector<16xf32>
        %parallel_loop3A_216 = arith.fptosi %parallel_loop3A_215 : vector<16xf32> to vector<16xi32>
        %parallel_loop3A_217 = tpu.vector_load_idx %arg5[%parallel_loop3A_216] : memref<64xi32, #tpu.memory_space<vmem>>[vector<16xi32>], vector<16xi32>,
        %parallel_loop3A_218 = vector.bitcast %parallel_loop3A_217 : vector<16xi32> to vector<16xf32>
        %parallel_loop3A_219 = arith.constant 16 : i32
        %parallel_loop3A_220 = vector.broadcast %parallel_loop3A_219 : i32 to vector<16xi32>
        %parallel_loop3A_221 = arith.shli %parallel_loop3A_217, %parallel_loop3A_220 : vector<16xi32>
        %parallel_loop3A_222 = vector.bitcast %parallel_loop3A_221 : vector<16xi32> to vector<16xf32>
        %parallel_loop3A_223 = arith.mulf %parallel_loop3A_222, %parallel_loop3A_203 : vector<16xf32>
        %parallel_loop3A_224 = arith.index_cast %parallel_loop3A_196 : i32 to index
        %parallel_loop3A_225 = arith.index_cast %parallel_loop3A_200 : i32 to index
        %parallel_loop3A_226 = tpu.vector_load %arg7[%parallel_loop3A_224, %parallel_loop3A_225] {strides = array<i32>} : memref<8x4096xf32, #tpu.memory_space<vmem>>, vector<16xf32>,
        tpu.vector_store %arg7[%parallel_loop3A_224, %parallel_loop3A_225], %parallel_loop3A_223 {strides = array<i32>} : memref<8x4096xf32, #tpu.memory_space<vmem>>, vector<16xf32>,
        %parallel_loop3A_227 = arith.index_cast %parallel_loop3A_196 : i32 to index
        %parallel_loop3A_228 = arith.index_cast %parallel_loop3A_200 : i32 to index
        %parallel_loop3A_229 = tpu.vector_load %arg7[%parallel_loop3A_227, %parallel_loop3A_228] {strides = array<i32>} : memref<8x4096xf32, #tpu.memory_space<vmem>>, vector<16xf32>,
        tpu.vector_store %arg7[%parallel_loop3A_227, %parallel_loop3A_228], %parallel_loop3A_218 {add = true, strides = array<i32>} : memref<8x4096xf32, #tpu.memory_space<vmem>>, vector<16xf32>,
      } {sc.loop_unroll_factor = 8 : i64, sc.parallel_access}
      %add3A_85 = arith.addi %mul3A_2, %add3A_72 : i32
      %dma_start3A_86 = arith.constant 0 : i32
      %dma_start3A_87 = arith.constant 0 : i32
      %dma_start3A_88 = tpu.memref_slice %arg4[%add3A_85, %dma_start3A_86, %dma_start3A_87] : memref<2048x8x4096xf32, #tpu.memory_space<hbm>> -> memref<1x8x4096xf32, #tpu.memory_space<hbm>>
      %dma_start3A_89 = tpu.memref_squeeze %dma_start3A_88 : memref<1x8x4096xf32, #tpu.memory_space<hbm>> -> memref<8x4096xf32, #tpu.memory_space<hbm>>
      %dma_start3A_90 = arith.constant 0 : i32
      %dma_start3A_91 = arith.constant 0 : i32
      %dma_start3A_92 = tpu.memref_slice %arg4[%add3A_85, %dma_start3A_90, %dma_start3A_91] : memref<2048x8x4096xf32, #tpu.memory_space<hbm>> -> memref<1x8x4096xf32, #tpu.memory_space<hbm>>
      %dma_start3A_93 = tpu.memref_squeeze %dma_start3A_92 : memref<1x8x4096xf32, #tpu.memory_space<hbm>> -> memref<8x4096xf32, #tpu.memory_space<hbm>>
      tpu.enqueue_dma source(%arg7 : memref<8x4096xf32, #tpu.memory_space<vmem>>) target(%dma_start3A_93 : memref<8x4096xf32, #tpu.memory_space<hbm>>) target_semaphore(%arg13 : memref<!tpu.dma_semaphore, #tpu.memory_space<semaphore_mem>>)
      %sub3A = arith.constant 1 : i32
      %sub3A_94 = arith.subi %add3A_72, %sub3A : i32
      %add3A_95 = arith.addi %mul3A_2, %sub3A_94 : i32
      %dma_wait3A_96 = arith.constant 0 : i32
      %dma_wait3A_97 = arith.constant 0 : i32
      %dma_wait3A_98 = tpu.memref_slice %arg4[%add3A_95, %dma_wait3A_96, %dma_wait3A_97] : memref<2048x8x4096xf32, #tpu.memory_space<hbm>> -> memref<1x8x4096xf32, #tpu.memory_space<hbm>>
      %dma_wait3A_99 = tpu.memref_squeeze %dma_wait3A_98 : memref<1x8x4096xf32, #tpu.memory_space<hbm>> -> memref<8x4096xf32, #tpu.memory_space<hbm>>
      %dma_wait3A_100 = arith.constant 0 : i32
      %dma_wait3A_101 = arith.constant 0 : i32
      %dma_wait3A_102 = tpu.memref_slice %arg4[%add3A_95, %dma_wait3A_100, %dma_wait3A_101] : memref<2048x8x4096xf32, #tpu.memory_space<hbm>> -> memref<1x8x4096xf32, #tpu.memory_space<hbm>>
      %dma_wait3A_103 = tpu.memref_squeeze %dma_wait3A_102 : memref<1x8x4096xf32, #tpu.memory_space<hbm>> -> memref<8x4096xf32, #tpu.memory_space<hbm>>
      tpu.wait_dma2 semaphore(%arg12 : memref<!tpu.dma_semaphore, #tpu.memory_space<semaphore_mem>>) src(%arg6 : memref<8x4096xf32, #tpu.memory_space<vmem>>) dst(%dma_wait3A_103 : memref<8x4096xf32, #tpu.memory_space<hbm>>)
      %add3A_104 = arith.constant 2 : i32
      %add3A_105 = arith.addi %add3A_72, %add3A_104 : i32
      %add3A_106 = arith.addi %mul3A_2, %add3A_105 : i32
      %dma_start3A_107 = arith.constant 0 : i32
      %dma_start3A_108 = arith.constant 0 : i32
      %dma_start3A_109 = tpu.memref_slice %arg2[%add3A_106, %dma_start3A_107, %dma_start3A_108] : memref<2048x8x4096xf32, #tpu.memory_space<hbm>> -> memref<1x8x4096xf32, #tpu.memory_space<hbm>>
      %dma_start3A_110 = tpu.memref_squeeze %dma_start3A_109 : memref<1x8x4096xf32, #tpu.memory_space<hbm>> -> memref<8x4096xf32, #tpu.memory_space<hbm>>
      %dma_start3A_111 = arith.constant 0 : i32
      %dma_start3A_112 = arith.constant 0 : i32
      %dma_start3A_113 = tpu.memref_slice %arg2[%add3A_106, %dma_start3A_111, %dma_start3A_112] : memref<2048x8x4096xf32, #tpu.memory_space<hbm>> -> memref<1x8x4096xf32, #tpu.memory_space<hbm>>
      %dma_start3A_114 = tpu.memref_squeeze %dma_start3A_113 : memref<1x8x4096xf32, #tpu.memory_space<hbm>> -> memref<8x4096xf32, #tpu.memory_space<hbm>>
      tpu.enqueue_dma source(%dma_start3A_114 : memref<8x4096xf32, #tpu.memory_space<hbm>>) target(%arg6 : memref<8x4096xf32, #tpu.memory_space<vmem>>) target_semaphore(%arg9 : memref<!tpu.dma_semaphore, #tpu.memory_space<semaphore_mem>>)
      %mul3A_115 = arith.constant 3 : i32
      %mul3A_116 = arith.muli %scan3A_68, %mul3A_115 : i32
      %add3A_117 = arith.constant 2 : i32
      %add3A_118 = arith.addi %mul3A_116, %add3A_117 : i32
      %add3A_119 = arith.addi %mul3A_2, %add3A_118 : i32
      %dma_wait3A_120 = arith.constant 0 : i32
      %dma_wait3A_121 = arith.constant 0 : i32
      %dma_wait3A_122 = tpu.memref_slice %arg2[%add3A_119, %dma_wait3A_120, %dma_wait3A_121] : memref<2048x8x4096xf32, #tpu.memory_space<hbm>> -> memref<1x8x4096xf32, #tpu.memory_space<hbm>>
      %dma_wait3A_123 = tpu.memref_squeeze %dma_wait3A_122 : memref<1x8x4096xf32, #tpu.memory_space<hbm>> -> memref<8x4096xf32, #tpu.memory_space<hbm>>
      %dma_wait3A_124 = arith.constant 0 : i32
      %dma_wait3A_125 = arith.constant 0 : i32
      %dma_wait3A_126 = tpu.memref_slice %arg2[%add3A_119, %dma_wait3A_124, %dma_wait3A_125] : memref<2048x8x4096xf32, #tpu.memory_space<hbm>> -> memref<1x8x4096xf32, #tpu.memory_space<hbm>>
      %dma_wait3A_127 = tpu.memref_squeeze %dma_wait3A_126 : memref<1x8x4096xf32, #tpu.memory_space<hbm>> -> memref<8x4096xf32, #tpu.memory_space<hbm>>
      tpu.wait_dma2 semaphore(%arg11 : memref<!tpu.dma_semaphore, #tpu.memory_space<semaphore_mem>>) src(%dma_wait3A_127 : memref<8x4096xf32, #tpu.memory_space<hbm>>) dst(%arg8 : memref<8x4096xf32, #tpu.memory_space<vmem>>)
      %parallel_loop3A_128 = arith.constant 0 : i32
      %parallel_loop3A_129 = arith.constant 2048 : i32
      %parallel_loop3A_130 = arith.constant 1 : i32
      scf.for %parallel_loop3A_194 = %parallel_loop3A_128 to %parallel_loop3A_129 step %parallel_loop3A_130  : i32 {
        %parallel_loop3A_195 = arith.constant 8 : i32
        %parallel_loop3A_196 = arith.shrui %parallel_loop3A_194, %parallel_loop3A_195 : i32
        %parallel_loop3A_197 = arith.constant 255 : i32
        %parallel_loop3A_198 = arith.andi %parallel_loop3A_194, %parallel_loop3A_197 : i32
        %parallel_loop3A_199 = arith.constant 4 : i32
        %parallel_loop3A_200 = arith.shli %parallel_loop3A_198, %parallel_loop3A_199 : i32
        %parallel_loop3A_201 = arith.index_cast %parallel_loop3A_196 : i32 to index
        %parallel_loop3A_202 = arith.index_cast %parallel_loop3A_200 : i32 to index
        %parallel_loop3A_203 = tpu.vector_load %arg8[%parallel_loop3A_201, %parallel_loop3A_202] {strides = array<i32>} : memref<8x4096xf32, #tpu.memory_space<vmem>>, vector<16xf32>,
        %parallel_loop3A_204 = arith.constant 5.33333349 : f32
        %parallel_loop3A_205 = vector.broadcast %parallel_loop3A_204 : f32 to vector<16xf32>
        %parallel_loop3A_206 = arith.mulf %parallel_loop3A_203, %parallel_loop3A_205 : vector<16xf32>
        %parallel_loop3A_207 = arith.constant 3.200000e+01 : f32
        %parallel_loop3A_208 = vector.broadcast %parallel_loop3A_207 : f32 to vector<16xf32>
        %parallel_loop3A_209 = arith.addf %parallel_loop3A_206, %parallel_loop3A_208 : vector<16xf32>
        %parallel_loop3A_210 = arith.constant 0.000000e+00 : f32
        %parallel_loop3A_211 = arith.constant 6.300000e+01 : f32
        %parallel_loop3A_212 = vector.broadcast %parallel_loop3A_210 : f32 to vector<16xf32>
        %parallel_loop3A_213 = arith.maximumf %parallel_loop3A_212, %parallel_loop3A_209 : vector<16xf32>
        %parallel_loop3A_214 = vector.broadcast %parallel_loop3A_211 : f32 to vector<16xf32>
        %parallel_loop3A_215 = arith.minimumf %parallel_loop3A_214, %parallel_loop3A_213 : vector<16xf32>
        %parallel_loop3A_216 = arith.fptosi %parallel_loop3A_215 : vector<16xf32> to vector<16xi32>
        %parallel_loop3A_217 = tpu.vector_load_idx %arg5[%parallel_loop3A_216] : memref<64xi32, #tpu.memory_space<vmem>>[vector<16xi32>], vector<16xi32>,
        %parallel_loop3A_218 = vector.bitcast %parallel_loop3A_217 : vector<16xi32> to vector<16xf32>
        %parallel_loop3A_219 = arith.constant 16 : i32
        %parallel_loop3A_220 = vector.broadcast %parallel_loop3A_219 : i32 to vector<16xi32>
        %parallel_loop3A_221 = arith.shli %parallel_loop3A_217, %parallel_loop3A_220 : vector<16xi32>
        %parallel_loop3A_222 = vector.bitcast %parallel_loop3A_221 : vector<16xi32> to vector<16xf32>
        %parallel_loop3A_223 = arith.mulf %parallel_loop3A_222, %parallel_loop3A_203 : vector<16xf32>
        %parallel_loop3A_224 = arith.index_cast %parallel_loop3A_196 : i32 to index
        %parallel_loop3A_225 = arith.index_cast %parallel_loop3A_200 : i32 to index
        %parallel_loop3A_226 = tpu.vector_load %arg8[%parallel_loop3A_224, %parallel_loop3A_225] {strides = array<i32>} : memref<8x4096xf32, #tpu.memory_space<vmem>>, vector<16xf32>,
        tpu.vector_store %arg8[%parallel_loop3A_224, %parallel_loop3A_225], %parallel_loop3A_223 {strides = array<i32>} : memref<8x4096xf32, #tpu.memory_space<vmem>>, vector<16xf32>,
        %parallel_loop3A_227 = arith.index_cast %parallel_loop3A_196 : i32 to index
        %parallel_loop3A_228 = arith.index_cast %parallel_loop3A_200 : i32 to index
        %parallel_loop3A_229 = tpu.vector_load %arg8[%parallel_loop3A_227, %parallel_loop3A_228] {strides = array<i32>} : memref<8x4096xf32, #tpu.memory_space<vmem>>, vector<16xf32>,
        tpu.vector_store %arg8[%parallel_loop3A_227, %parallel_loop3A_228], %parallel_loop3A_218 {add = true, strides = array<i32>} : memref<8x4096xf32, #tpu.memory_space<vmem>>, vector<16xf32>,
      } {sc.loop_unroll_factor = 8 : i64, sc.parallel_access}
      %add3A_131 = arith.addi %mul3A_2, %add3A_118 : i32
      %dma_start3A_132 = arith.constant 0 : i32
      %dma_start3A_133 = arith.constant 0 : i32
      %dma_start3A_134 = tpu.memref_slice %arg4[%add3A_131, %dma_start3A_132, %dma_start3A_133] : memref<2048x8x4096xf32, #tpu.memory_space<hbm>> -> memref<1x8x4096xf32, #tpu.memory_space<hbm>>
      %dma_start3A_135 = tpu.memref_squeeze %dma_start3A_134 : memref<1x8x4096xf32, #tpu.memory_space<hbm>> -> memref<8x4096xf32, #tpu.memory_space<hbm>>
      %dma_start3A_136 = arith.constant 0 : i32
      %dma_start3A_137 = arith.constant 0 : i32
      %dma_start3A_138 = tpu.memref_slice %arg4[%add3A_131, %dma_start3A_136, %dma_start3A_137] : memref<2048x8x4096xf32, #tpu.memory_space<hbm>> -> memref<1x8x4096xf32, #tpu.memory_space<hbm>>
      %dma_start3A_139 = tpu.memref_squeeze %dma_start3A_138 : memref<1x8x4096xf32, #tpu.memory_space<hbm>> -> memref<8x4096xf32, #tpu.memory_space<hbm>>
      tpu.enqueue_dma source(%arg8 : memref<8x4096xf32, #tpu.memory_space<vmem>>) target(%dma_start3A_139 : memref<8x4096xf32, #tpu.memory_space<hbm>>) target_semaphore(%arg14 : memref<!tpu.dma_semaphore, #tpu.memory_space<semaphore_mem>>)
      %sub3A_140 = arith.constant 1 : i32
      %sub3A_141 = arith.subi %add3A_118, %sub3A_140 : i32
      %add3A_142 = arith.addi %mul3A_2, %sub3A_141 : i32
      %dma_wait3A_143 = arith.constant 0 : i32
      %dma_wait3A_144 = arith.constant 0 : i32
      %dma_wait3A_145 = tpu.memref_slice %arg4[%add3A_142, %dma_wait3A_143, %dma_wait3A_144] : memref<2048x8x4096xf32, #tpu.memory_space<hbm>> -> memref<1x8x4096xf32, #tpu.memory_space<hbm>>
      %dma_wait3A_146 = tpu.memref_squeeze %dma_wait3A_145 : memref<1x8x4096xf32, #tpu.memory_space<hbm>> -> memref<8x4096xf32, #tpu.memory_space<hbm>>
      %dma_wait3A_147 = arith.constant 0 : i32
      %dma_wait3A_148 = arith.constant 0 : i32
      %dma_wait3A_149 = tpu.memref_slice %arg4[%add3A_142, %dma_wait3A_147, %dma_wait3A_148] : memref<2048x8x4096xf32, #tpu.memory_space<hbm>> -> memref<1x8x4096xf32, #tpu.memory_space<hbm>>
      %dma_wait3A_150 = tpu.memref_squeeze %dma_wait3A_149 : memref<1x8x4096xf32, #tpu.memory_space<hbm>> -> memref<8x4096xf32, #tpu.memory_space<hbm>>
      tpu.wait_dma2 semaphore(%arg13 : memref<!tpu.dma_semaphore, #tpu.memory_space<semaphore_mem>>) src(%arg7 : memref<8x4096xf32, #tpu.memory_space<vmem>>) dst(%dma_wait3A_150 : memref<8x4096xf32, #tpu.memory_space<hbm>>)
      %lt3A = arith.constant 20 : i32
      %lt3A_151 = arith.cmpi slt, %scan3A_68, %lt3A : i32
      %convert_element_type3A = arith.extui %lt3A_151 : i1 to i32
      %cond3A = arith.constant 0 : i32
      %cond3A_152 = arith.cmpi ne, %convert_element_type3A, %cond3A : i32
      scf.if %cond3A_152 {
        %add3A_194 = arith.constant 2 : i32
        %add3A_195 = arith.addi %add3A_118, %add3A_194 : i32
        %add3A_196 = arith.addi %mul3A_2, %add3A_195 : i32
        %dma_start3A_197 = arith.constant 0 : i32
        %dma_start3A_198 = arith.constant 0 : i32
        %dma_start3A_199 = tpu.memref_slice %arg2[%add3A_196, %dma_start3A_197, %dma_start3A_198] : memref<2048x8x4096xf32, #tpu.memory_space<hbm>> -> memref<1x8x4096xf32, #tpu.memory_space<hbm>>
        %dma_start3A_200 = tpu.memref_squeeze %dma_start3A_199 : memref<1x8x4096xf32, #tpu.memory_space<hbm>> -> memref<8x4096xf32, #tpu.memory_space<hbm>>
        %dma_start3A_201 = arith.constant 0 : i32
        %dma_start3A_202 = arith.constant 0 : i32
        %dma_start3A_203 = tpu.memref_slice %arg2[%add3A_196, %dma_start3A_201, %dma_start3A_202] : memref<2048x8x4096xf32, #tpu.memory_space<hbm>> -> memref<1x8x4096xf32, #tpu.memory_space<hbm>>
        %dma_start3A_204 = tpu.memref_squeeze %dma_start3A_203 : memref<1x8x4096xf32, #tpu.memory_space<hbm>> -> memref<8x4096xf32, #tpu.memory_space<hbm>>
        tpu.enqueue_dma source(%dma_start3A_204 : memref<8x4096xf32, #tpu.memory_space<hbm>>) target(%arg7 : memref<8x4096xf32, #tpu.memory_space<vmem>>) target_semaphore(%arg10 : memref<!tpu.dma_semaphore, #tpu.memory_space<semaphore_mem>>)
      } else {
      }
      %mul3A_153 = arith.constant 3 : i32
      %mul3A_154 = arith.muli %scan3A_68, %mul3A_153 : i32
      %add3A_155 = arith.constant 3 : i32
      %add3A_156 = arith.addi %mul3A_154, %add3A_155 : i32
      %add3A_157 = arith.addi %mul3A_2, %add3A_156 : i32
      %dma_wait3A_158 = arith.constant 0 : i32
      %dma_wait3A_159 = arith.constant 0 : i32
      %dma_wait3A_160 = tpu.memref_slice %arg2[%add3A_157, %dma_wait3A_158, %dma_wait3A_159] : memref<2048x8x4096xf32, #tpu.memory_space<hbm>> -> memref<1x8x4096xf32, #tpu.memory_space<hbm>>
      %dma_wait3A_161 = tpu.memref_squeeze %dma_wait3A_160 : memref<1x8x4096xf32, #tpu.memory_space<hbm>> -> memref<8x4096xf32, #tpu.memory_space<hbm>>
      %dma_wait3A_162 = arith.constant 0 : i32
      %dma_wait3A_163 = arith.constant 0 : i32
      %dma_wait3A_164 = tpu.memref_slice %arg2[%add3A_157, %dma_wait3A_162, %dma_wait3A_163] : memref<2048x8x4096xf32, #tpu.memory_space<hbm>> -> memref<1x8x4096xf32, #tpu.memory_space<hbm>>
      %dma_wait3A_165 = tpu.memref_squeeze %dma_wait3A_164 : memref<1x8x4096xf32, #tpu.memory_space<hbm>> -> memref<8x4096xf32, #tpu.memory_space<hbm>>
      tpu.wait_dma2 semaphore(%arg9 : memref<!tpu.dma_semaphore, #tpu.memory_space<semaphore_mem>>) src(%dma_wait3A_165 : memref<8x4096xf32, #tpu.memory_space<hbm>>) dst(%arg6 : memref<8x4096xf32, #tpu.memory_space<vmem>>)
      %parallel_loop3A_166 = arith.constant 0 : i32
      %parallel_loop3A_167 = arith.constant 2048 : i32
      %parallel_loop3A_168 = arith.constant 1 : i32
      scf.for %parallel_loop3A_194 = %parallel_loop3A_166 to %parallel_loop3A_167 step %parallel_loop3A_168  : i32 {
        %parallel_loop3A_195 = arith.constant 8 : i32
        %parallel_loop3A_196 = arith.shrui %parallel_loop3A_194, %parallel_loop3A_195 : i32
        %parallel_loop3A_197 = arith.constant 255 : i32
        %parallel_loop3A_198 = arith.andi %parallel_loop3A_194, %parallel_loop3A_197 : i32
        %parallel_loop3A_199 = arith.constant 4 : i32
        %parallel_loop3A_200 = arith.shli %parallel_loop3A_198, %parallel_loop3A_199 : i32
        %parallel_loop3A_201 = arith.index_cast %parallel_loop3A_196 : i32 to index
        %parallel_loop3A_202 = arith.index_cast %parallel_loop3A_200 : i32 to index
        %parallel_loop3A_203 = tpu.vector_load %arg6[%parallel_loop3A_201, %parallel_loop3A_202] {strides = array<i32>} : memref<8x4096xf32, #tpu.memory_space<vmem>>, vector<16xf32>,
        %parallel_loop3A_204 = arith.constant 5.33333349 : f32
        %parallel_loop3A_205 = vector.broadcast %parallel_loop3A_204 : f32 to vector<16xf32>
        %parallel_loop3A_206 = arith.mulf %parallel_loop3A_203, %parallel_loop3A_205 : vector<16xf32>
        %parallel_loop3A_207 = arith.constant 3.200000e+01 : f32
        %parallel_loop3A_208 = vector.broadcast %parallel_loop3A_207 : f32 to vector<16xf32>
        %parallel_loop3A_209 = arith.addf %parallel_loop3A_206, %parallel_loop3A_208 : vector<16xf32>
        %parallel_loop3A_210 = arith.constant 0.000000e+00 : f32
        %parallel_loop3A_211 = arith.constant 6.300000e+01 : f32
        %parallel_loop3A_212 = vector.broadcast %parallel_loop3A_210 : f32 to vector<16xf32>
        %parallel_loop3A_213 = arith.maximumf %parallel_loop3A_212, %parallel_loop3A_209 : vector<16xf32>
        %parallel_loop3A_214 = vector.broadcast %parallel_loop3A_211 : f32 to vector<16xf32>
        %parallel_loop3A_215 = arith.minimumf %parallel_loop3A_214, %parallel_loop3A_213 : vector<16xf32>
        %parallel_loop3A_216 = arith.fptosi %parallel_loop3A_215 : vector<16xf32> to vector<16xi32>
        %parallel_loop3A_217 = tpu.vector_load_idx %arg5[%parallel_loop3A_216] : memref<64xi32, #tpu.memory_space<vmem>>[vector<16xi32>], vector<16xi32>,
        %parallel_loop3A_218 = vector.bitcast %parallel_loop3A_217 : vector<16xi32> to vector<16xf32>
        %parallel_loop3A_219 = arith.constant 16 : i32
        %parallel_loop3A_220 = vector.broadcast %parallel_loop3A_219 : i32 to vector<16xi32>
        %parallel_loop3A_221 = arith.shli %parallel_loop3A_217, %parallel_loop3A_220 : vector<16xi32>
        %parallel_loop3A_222 = vector.bitcast %parallel_loop3A_221 : vector<16xi32> to vector<16xf32>
        %parallel_loop3A_223 = arith.mulf %parallel_loop3A_222, %parallel_loop3A_203 : vector<16xf32>
        %parallel_loop3A_224 = arith.index_cast %parallel_loop3A_196 : i32 to index
        %parallel_loop3A_225 = arith.index_cast %parallel_loop3A_200 : i32 to index
        %parallel_loop3A_226 = tpu.vector_load %arg6[%parallel_loop3A_224, %parallel_loop3A_225] {strides = array<i32>} : memref<8x4096xf32, #tpu.memory_space<vmem>>, vector<16xf32>,
        tpu.vector_store %arg6[%parallel_loop3A_224, %parallel_loop3A_225], %parallel_loop3A_223 {strides = array<i32>} : memref<8x4096xf32, #tpu.memory_space<vmem>>, vector<16xf32>,
        %parallel_loop3A_227 = arith.index_cast %parallel_loop3A_196 : i32 to index
        %parallel_loop3A_228 = arith.index_cast %parallel_loop3A_200 : i32 to index
        %parallel_loop3A_229 = tpu.vector_load %arg6[%parallel_loop3A_227, %parallel_loop3A_228] {strides = array<i32>} : memref<8x4096xf32, #tpu.memory_space<vmem>>, vector<16xf32>,
        tpu.vector_store %arg6[%parallel_loop3A_227, %parallel_loop3A_228], %parallel_loop3A_218 {add = true, strides = array<i32>} : memref<8x4096xf32, #tpu.memory_space<vmem>>, vector<16xf32>,
      } {sc.loop_unroll_factor = 8 : i64, sc.parallel_access}
      %add3A_169 = arith.addi %mul3A_2, %add3A_156 : i32
      %dma_start3A_170 = arith.constant 0 : i32
      %dma_start3A_171 = arith.constant 0 : i32
      %dma_start3A_172 = tpu.memref_slice %arg4[%add3A_169, %dma_start3A_170, %dma_start3A_171] : memref<2048x8x4096xf32, #tpu.memory_space<hbm>> -> memref<1x8x4096xf32, #tpu.memory_space<hbm>>
      %dma_start3A_173 = tpu.memref_squeeze %dma_start3A_172 : memref<1x8x4096xf32, #tpu.memory_space<hbm>> -> memref<8x4096xf32, #tpu.memory_space<hbm>>
      %dma_start3A_174 = arith.constant 0 : i32
      %dma_start3A_175 = arith.constant 0 : i32
      %dma_start3A_176 = tpu.memref_slice %arg4[%add3A_169, %dma_start3A_174, %dma_start3A_175] : memref<2048x8x4096xf32, #tpu.memory_space<hbm>> -> memref<1x8x4096xf32, #tpu.memory_space<hbm>>
      %dma_start3A_177 = tpu.memref_squeeze %dma_start3A_176 : memref<1x8x4096xf32, #tpu.memory_space<hbm>> -> memref<8x4096xf32, #tpu.memory_space<hbm>>
      tpu.enqueue_dma source(%arg6 : memref<8x4096xf32, #tpu.memory_space<vmem>>) target(%dma_start3A_177 : memref<8x4096xf32, #tpu.memory_space<hbm>>) target_semaphore(%arg12 : memref<!tpu.dma_semaphore, #tpu.memory_space<semaphore_mem>>)
      %sub3A_178 = arith.constant 1 : i32
      %sub3A_179 = arith.subi %add3A_156, %sub3A_178 : i32
      %add3A_180 = arith.addi %mul3A_2, %sub3A_179 : i32
      %dma_wait3A_181 = arith.constant 0 : i32
      %dma_wait3A_182 = arith.constant 0 : i32
      %dma_wait3A_183 = tpu.memref_slice %arg4[%add3A_180, %dma_wait3A_181, %dma_wait3A_182] : memref<2048x8x4096xf32, #tpu.memory_space<hbm>> -> memref<1x8x4096xf32, #tpu.memory_space<hbm>>
      %dma_wait3A_184 = tpu.memref_squeeze %dma_wait3A_183 : memref<1x8x4096xf32, #tpu.memory_space<hbm>> -> memref<8x4096xf32, #tpu.memory_space<hbm>>
      %dma_wait3A_185 = arith.constant 0 : i32
      %dma_wait3A_186 = arith.constant 0 : i32
      %dma_wait3A_187 = tpu.memref_slice %arg4[%add3A_180, %dma_wait3A_185, %dma_wait3A_186] : memref<2048x8x4096xf32, #tpu.memory_space<hbm>> -> memref<1x8x4096xf32, #tpu.memory_space<hbm>>
      %dma_wait3A_188 = tpu.memref_squeeze %dma_wait3A_187 : memref<1x8x4096xf32, #tpu.memory_space<hbm>> -> memref<8x4096xf32, #tpu.memory_space<hbm>>
      tpu.wait_dma2 semaphore(%arg14 : memref<!tpu.dma_semaphore, #tpu.memory_space<semaphore_mem>>) src(%arg8 : memref<8x4096xf32, #tpu.memory_space<vmem>>) dst(%dma_wait3A_188 : memref<8x4096xf32, #tpu.memory_space<hbm>>)
      %lt3A_189 = arith.constant 20 : i32
      %lt3A_190 = arith.cmpi slt, %scan3A_68, %lt3A_189 : i32
      %convert_element_type3A_191 = arith.extui %lt3A_190 : i1 to i32
      %cond3A_192 = arith.constant 0 : i32
      %cond3A_193 = arith.cmpi ne, %convert_element_type3A_191, %cond3A_192 : i32
      scf.if %cond3A_193 {
        %add3A_194 = arith.constant 2 : i32
        %add3A_195 = arith.addi %add3A_156, %add3A_194 : i32
        %add3A_196 = arith.addi %mul3A_2, %add3A_195 : i32
        %dma_start3A_197 = arith.constant 0 : i32
        %dma_start3A_198 = arith.constant 0 : i32
        %dma_start3A_199 = tpu.memref_slice %arg2[%add3A_196, %dma_start3A_197, %dma_start3A_198] : memref<2048x8x4096xf32, #tpu.memory_space<hbm>> -> memref<1x8x4096xf32, #tpu.memory_space<hbm>>
        %dma_start3A_200 = tpu.memref_squeeze %dma_start3A_199 : memref<1x8x4096xf32, #tpu.memory_space<hbm>> -> memref<8x4096xf32, #tpu.memory_space<hbm>>
        %dma_start3A_201 = arith.constant 0 : i32
        %dma_start3A_202 = arith.constant 0 : i32
        %dma_start3A_203 = tpu.memref_slice %arg2[%add3A_196, %dma_start3A_201, %dma_start3A_202] : memref<2048x8x4096xf32, #tpu.memory_space<hbm>> -> memref<1x8x4096xf32, #tpu.memory_space<hbm>>
        %dma_start3A_204 = tpu.memref_squeeze %dma_start3A_203 : memref<1x8x4096xf32, #tpu.memory_space<hbm>> -> memref<8x4096xf32, #tpu.memory_space<hbm>>
        tpu.enqueue_dma source(%dma_start3A_204 : memref<8x4096xf32, #tpu.memory_space<hbm>>) target(%arg8 : memref<8x4096xf32, #tpu.memory_space<vmem>>) target_semaphore(%arg11 : memref<!tpu.dma_semaphore, #tpu.memory_space<semaphore_mem>>)
      } else {
      }
    }
    %scan3A_57 = arith.constant 21 : i32
    %add3A_58 = arith.constant 63 : i32
    %add3A_59 = arith.addi %mul3A_2, %add3A_58 : i32
    %dma_wait3A_60 = arith.constant 0 : i32
    %dma_wait3A_61 = arith.constant 0 : i32
    %dma_wait3A_62 = tpu.memref_slice %arg4[%add3A_59, %dma_wait3A_60, %dma_wait3A_61] : memref<2048x8x4096xf32, #tpu.memory_space<hbm>> -> memref<1x8x4096xf32, #tpu.memory_space<hbm>>
    %dma_wait3A_63 = tpu.memref_squeeze %dma_wait3A_62 : memref<1x8x4096xf32, #tpu.memory_space<hbm>> -> memref<8x4096xf32, #tpu.memory_space<hbm>>
    %dma_wait3A_64 = arith.constant 0 : i32
    %dma_wait3A_65 = arith.constant 0 : i32
    %dma_wait3A_66 = tpu.memref_slice %arg4[%add3A_59, %dma_wait3A_64, %dma_wait3A_65] : memref<2048x8x4096xf32, #tpu.memory_space<hbm>> -> memref<1x8x4096xf32, #tpu.memory_space<hbm>>
    %dma_wait3A_67 = tpu.memref_squeeze %dma_wait3A_66 : memref<1x8x4096xf32, #tpu.memory_space<hbm>> -> memref<8x4096xf32, #tpu.memory_space<hbm>>
    tpu.wait_dma2 semaphore(%arg12 : memref<!tpu.dma_semaphore, #tpu.memory_space<semaphore_mem>>) src(%arg6 : memref<8x4096xf32, #tpu.memory_space<vmem>>) dst(%dma_wait3A_67 : memref<8x4096xf32, #tpu.memory_space<hbm>>)
    return
  }
}

</mosaic_0001>

<sc_bundles>
// kernel: kernel.3.cloned.1.call-start
scs
__scs_entry_jumppad:
0x0: {  	(pc) =	sbr.rel $0x88, $3  }
0x1: {  	(tag) =	ssettag $0x0;
	lr =	simm.s32 $0x1  }
0x2: {  	[smem:$0x3F9F] =	sst lr;
	_ =	strace $0xD0000000  }
0x3: {  	_ = 	snop  }
0x4: {  	_ = 	snop  }
0x5: {  	_ = 	snop  }
0x6: {  	_ = 	snop  }
0x7: {  	_ = 	snop  }
__scs_overlays_trampoline_lowered:
0x8: {  	[smem:$0x3FAE] =	sst s0  }
0x9: {  	[smem:$0x3FAF] =	sst s1  }
0xa: {  	[smem:$0x3FB0] =	sst s2  }
0xb: {  	[smem:$0x3FB1] =	sst s3  }
0xc: {  	[smem:$0x3FB2] =	sst s4  }
0xd: {  	[smem:$0x3FB3] =	sst s5  }
0xe: {  	[smem:$0x3FB4] =	sst s6  }
0xf: {  	[smem:$0x3FB5] =	sst s7  }
0x10: {  	[smem:$0x3FB6] =	sst s8  }
0x11: {  	[smem:$0x3FB7] =	sst s9;
	s0 =	simm.s32 @!p0 $0x0  }
0x12: {  	s1 =	sld [smem:$0x3F9D];
	s0 =	simm.s32 @p0 $0x1  }
0x13: {  	[smem:$0x3FB8] =	sst s0;
	s0 =	simm.s32 @!p1 $0x0  }
0x14: {  	s2 =	sld [smem:$0x3F9C];
	s0 =	simm.s32 @p1 $0x1  }
0x15: {  	[smem:$0x3FB9] =	sst s0;
	s0 =	simm.s32 @!p2 $0x0  }
0x16: {  	s3 =	sld [smem:$0x3FDB];
	s0 =	simm.s32 @p2 $0x1  }
0x17: {  	s4 =	simm.s32 $0x1BF5;
	[smem:$0x3FBB] =	sst s0  }
0x18: {  	s0 =	sld [smem:$0x3F9E];
	_ =	swait.ge [sflag:s4], $0x0  }
0x19: {  	s7 =	sld [smem:$0x3F9F]  }
0x1a: {  	s8 =	sadd.s32 $0xFFFFE003, lr  }
0x1b: {  	s9 =	sadd.s32 $0xFFFFFEF7, lr;
	s5 =	simm.s32 $0xFFFFFFFF;
	p2 =	slt.u32 s8, $0xFFFFF086  }
0x1c: {  	p1 =	slt.u32 s9, $0xF7A;
	s5 =	simm.s32 @!p2 $0x0  }
0x1d: {  	s5 =	simm.s32 @p1 $0x1;
	p0 =	seq.s32 s7, s2  }
0x1e: {  	s7 =	smul.u32 @!p0 $0xF7A, s2;
	p2 =	seq.s32 @!p0 s5, $0x0  }
0x1f: {  	s9 =	smul.u32 $0xF7A, s1;
	s8 =	simm.s32 @!p0 $0x1BF5;
	p2 =	por !p2, p0  }
0x20: {  	[sflag:s8] =	ssyncset.s32 @!p0 $0xFFFFF086;
	s6 =	sadd.s32 @!p0 s3, s7;
	s7 =	simm.s32 @!p0 $0x108  }
0x21: {  	s3 =	sadd.s32 s3, s9;
	s6 =	sadd.s32 @!p0 $0x88, s6;
	s7 =	simm.s32 @p2 $0x1082  }
0x22: {  	[simem:s7], [sflag:s8] =	dma.local @!p0 [hbm:s6], $0xF7A  }
0x23: {  	s9 =	sor.u32 $0xD0000000, s2;
	s6 =	simm.s32 $0x108;
	_ =	swait.ge @!p0 [sflag:s8], $0x0  }
0x24: {  	s3 =	sadd.s32 $0x88, s3;
	s6 =	simm.s32 @!p1 $0x1082;
	[sflag:s4] =	ssyncset.s32 $0xFFFFF086  }
0x25: {  	[simem:s6], [sflag:s4] =	dma.local [hbm:s3], $0xF7A  }
0x26: {  	[smem:$0x3F9F] =	sst s1;
	(tag) =	ssettag s2;
	_ =	strace s9  }
0x27: {  	s1 =	sld [smem:$0x3FAF]  }
0x28: {  	s2 =	sld [smem:$0x3FB0]  }
0x29: {  	s4 =	sld [smem:$0x3FB2]  }
0x2a: {  	p0 =	seq.s32 s5, $0x0;
	s5 =	sld [smem:$0x3FB3]  }
0x2b: {  	s6 =	sld [smem:$0x3FB4]  }
0x2c: {  	s7 =	sld [smem:$0x3FB5]  }
0x2d: {  	s3 =	simm.s32 $0x108;
	s8 =	sld [smem:$0x3FB6]  }
0x2e: {  	s3 =	simm.s32 @!p0 $0x1082;
	s9 =	sld [smem:$0x3FB7]  }
0x2f: {  	lr =	sadd.s32 s0, s3;
	s0 =	sld [smem:$0x3FAE]  }
0x30: {  	s3 =	sld [smem:$0x3FB1]  }
0x31: {  	[smem:$0x3FBA] =	sst s10  }
0x32: {  	s10 =	sld [smem:$0x3FB8];
	_ =	sdelay $0x3  }
0x33: {  	p0 =	seq.s32 s10, $0x1;
	s10 =	sld [smem:$0x3FBA];
	_ =	sdelay $0x3  }
0x34: {  	[smem:$0x3FBA] =	sst s10  }
0x35: {  	s10 =	sld [smem:$0x3FB9];
	_ =	sdelay $0x3  }
0x36: {  	p1 =	seq.s32 s10, $0x1;
	s10 =	sld [smem:$0x3FBA];
	_ =	sdelay $0x3  }
0x37: {  	[smem:$0x3FBA] =	sst s10  }
0x38: {  	s10 =	sld [smem:$0x3FBB]  }
0x39: {  	_ = 	snop;
	(pc) =	sbr.ind lr, $3  }
0x3a: {  	_ = 	snop  }
0x3b: {  	_ = 	snop  }
0x3c: {  	p2 =	seq.s32 s10, $0x1;
	s10 =	sld [smem:$0x3FBA]  }
0x3d: {  	_ =	shalt  }
0x3e: {  	_ =	shalt  }
0x3f: {  	_ =	shalt  }
0x40: {  	_ =	shalt  }
0x41: {  	_ =	shalt  }
0x42: {  	_ =	shalt  }
0x43: {  	_ =	shalt  }
0x44: {  	_ =	shalt  }
0x45: {  	_ =	shalt  }
0x46: {  	_ =	shalt  }
0x47: {  	_ =	shalt  }
0x48: {  	_ =	shalt  }
0x49: {  	_ =	shalt  }
0x4a: {  	_ =	shalt  }
0x4b: {  	_ =	shalt  }
0x4c: {  	_ =	shalt  }
0x4d: {  	_ =	shalt  }
0x4e: {  	_ =	shalt  }
0x4f: {  	_ =	shalt  }
0x50: {  	_ =	shalt  }
0x51: {  	_ =	shalt  }
0x52: {  	_ =	shalt  }
0x53: {  	_ =	shalt  }
0x54: {  	_ =	shalt  }
0x55: {  	_ =	shalt  }
0x56: {  	_ =	shalt  }
0x57: {  	_ =	shalt  }
0x58: {  	_ =	shalt  }
0x59: {  	_ =	shalt  }
0x5a: {  	_ =	shalt  }
0x5b: {  	_ =	shalt  }
0x5c: {  	_ =	shalt  }
0x5d: {  	_ =	shalt  }
0x5e: {  	_ =	shalt  }
0x5f: {  	_ =	shalt  }
0x60: {  	_ =	shalt  }
0x61: {  	_ =	shalt  }
0x62: {  	_ =	shalt  }
0x63: {  	_ =	shalt  }
0x64: {  	_ =	shalt  }
0x65: {  	_ =	shalt  }
0x66: {  	_ =	shalt  }
0x67: {  	_ =	shalt  }
0x68: {  	_ =	shalt  }
0x69: {  	_ =	shalt  }
0x6a: {  	_ =	shalt  }
0x6b: {  	_ =	shalt  }
0x6c: {  	_ =	shalt  }
0x6d: {  	_ =	shalt  }
0x6e: {  	_ =	shalt  }
0x6f: {  	_ =	shalt  }
0x70: {  	_ =	shalt  }
0x71: {  	_ =	shalt  }
0x72: {  	_ =	shalt  }
0x73: {  	_ =	shalt  }
0x74: {  	_ =	shalt  }
0x75: {  	_ =	shalt  }
0x76: {  	_ =	shalt  }
0x77: {  	_ =	shalt  }
0x78: {  	_ =	shalt  }
0x79: {  	_ =	shalt  }
0x7a: {  	_ =	shalt  }
0x7b: {  	_ =	shalt  }
0x7c: {  	_ =	shalt  }
0x7d: {  	_ =	shalt  }
0x7e: {  	_ =	shalt  }
0x7f: {  	_ =	shalt  }
0x80: {  	_ =	shalt  }
0x81: {  	_ =	shalt  }
0x82: {  	_ =	shalt  }
0x83: {  	_ =	shalt  }
0x84: {  	_ =	shalt  }
0x85: {  	_ =	shalt  }
0x86: {  	_ =	shalt  }
0x87: {  	_ =	shalt  }
.Lfunc_end0:
.L_simem_size_0:
called_computation_lowered:
.L_overlay_start_0:
0x88: {  	s2 =	sld [smem:$0x3FD9]  }
0x89: {  	s3 =	sld [smem:$0x3FFE];
	_ =	sdelay $0x1  }
0x8a: {  	s1 =	srdreg.scid  }
0x8b: {  	s0 =	sand.u32 $0x1, s1  }
0x8c: {  	s17 =	sshll.u32 s0, $0xA;
	s2 =	sadd.s32 s3, s2  }
0x8d: {  	s2 =	sadd.s32 s2, s17  }
0x8e: {  	[smem:$0x3FC6] =	sst s2  }
0x8f: {  	_ = 	snop  }
0x90: {  	s2 =	sld [smem:$0x3FC9]  }
0x91: {  	s18 =	sld [smem:$0x3FD0];
	(tm) =	ssettm $0x1  }
0x92: {  	s4 =	sld [smem:$0x3FFB];
	_ =	sdelay $0x3  }
0x93: {  	_ =	strace s4  }
0x94: {  	s4 =	sld [smem:$0x3FFC];
	_ =	sdelay $0x3  }
0x95: {  	_ =	strace s4  }
0x96: {  	s4 =	sld [smem:$0x3FFD];
	_ =	sdelay $0x3  }
0x97: {  	_ =	strace s4  }
0x98: {  	_ =	strace $0x8FFFFFFF  }
0x99: {  	s19 =	sld [smem:$0x3FDB];
	_ =	sdelay $0x1  }
0x9a: {  	s5 =	simm.s32 $_scs_section_size  }
0x9b: {  	s6 =	simm.s32 $_size__tile_overlayer_lowered;
	s7 =	simm.s32 $_tile_overlayer_lowered  }
0x9c: {  	s22 =	simm.s32 $0x1BFF;
	s21 =	sshll.u32 s7, $0x1;
	s4 =	sadd.s32 s5, s19  }
0x9d: {  	s8 =	simm.s32 $0x0;
	s20 =	sshll.u32 s6, $0x1;
	s6 =	sadd.s32 s21, s4  }
0x9e: {  	[timem:s8], [sflag:s22] =	dma.local [hbm:s6], s20  }
0x9f: {  	_ =	swait.ge [sflag:s22], s20  }
0xa0: {  	s5 =	ssub.s32 $0x0, s20;
	[sflag:s22] =	ssyncset.done $0x0  }
0xa1: {  	[sflag:s22] =	ssyncadd.s32 s5;
	_ =	sdelay $0x1  }
0xa2: {  	s23 =	simm.s32 $0x1B8B  }
0xa3: {  	_ =	swait.ge [sflag:s23], $0x1  }
0xa4: {  	[sflag:s23] =	ssyncset.done $0x0  }
0xa5: {  	s25 =	simm.s32 $0x1B8E;
	s24 =	sld [smem:$0x3FFE];
	[sflag:s23] =	ssyncadd.s32 $0xFFFFFFFF  }
0xa6: {  	s26 =	simm.s32 $execute0_lowered;
	[smem:$0x3FD2] =	sst s25  }
0xa7: {  	s6 =	sshll.u32 s26, $0x1;
	_ =	strace $0x80000046;
	[dreg:$0x1] =	wrdreg $0xFFFFFFFF  }
0xa8: {  	s28 =	simm.s32 $_size_execute0_lowered;
	s4 =	sadd.s32 s4, s6;
	[dreg:$0x0] =	wrdreg $0x0  }
0xa9: {  	s6 =	sshll.u32 s28, $0x1;
	[dreg:$0x2] =	wrdreg s4  }
0xaa: {  	[dreg:$0x3] =	wrdreg s6  }
0xab: {  	[dreg:$0x4] =	wrdreg $0xC0  }
0xac: {  	_ =	task [dreg:s8], $0x5FFFF  }
0xad: {  	[dreg:$0x1] =	wrdreg $0xFFFFFFFF  }
0xae: {  	[dreg:$0x0] =	wrdreg $0x60  }
0xaf: {  	[dreg:$0x2] =	wrdreg s2  }
0xb0: {  	[dreg:$0x3] =	wrdreg s24  }
0xb1: {  	[dreg:$0x4] =	wrdreg s18  }
0xb2: {  	[dreg:$0x5] =	wrdreg $0x9  }
0xb3: {  	_ =	task.clear_ibuf [dreg:s8], $0x6FFFF;
	_ =	strace $0x90000046  }
0xb4: {  	s29 =	simm.s32 $0x9;
	_ =	strace $0x80000048  }
0xb5: {  	_ =	swait.ge [sflag:s29], $0x1  }
0xb6: {  	[sflag:s29] =	ssyncadd.s32 $0xFFFFFFFF  }
0xb7: {  	_ =	strace $0x90000048  }
0xb8: {  	_ =	sfence  }
0xb9: {  	s30 =	sld [smem:$0x0];
	_ =	sdelay $0x2  }
0xba: {  	s31 =	sshll.u32 s1, $0xD;
	s1 =	sshrl.u32 s1, $0x2  }
0xbb: {  	s3 =	sand.u32 $0x4000, s31;
	s1 =	sadd.s32 s1, s30  }
0xbc: {  	s0 =	sor.u32 s3, s0;
	s1 =	sshll.u32 s1, $0x11  }
0xbd: {  	s0 =	sor.u32 s1, s0  }
0xbe: {  	s0 =	sadd.s32 $0x8F2B, s0  }
0xbf: {  	[sflag:s0] =	ssyncadd.remote.s32 $0x1  }
0xc0: {  	_ =	sfence.sel $0xFFFF  }
0xc1: {  	[dreg:$0x0] =	wrdreg $0xFFFFFFFF;
	(pc) =	sbr.abs _section_cstart, $3  }
0xc2: {  	[dreg:$0x1] =	wrdreg $0xFFFFFFFF  }
0xc3: {  	_ =	task.clear_ibuf [dreg:s8], $0x2FFFF;
	_ =	strace $0x9FFFFFFF  }
0xc4: {  	(tm) =	ssettm $0x7FFFFFFF  }
0xc5: {  	_ =	shalt  }
tec
execute0_lowered:
.L_overlay_start_1:
0x0: {  	(tag) =	ssettag $0x1  }
0x1: {  	s9 =	rddreg [dreg:$0x0]  }
0x2: {  	s0 =	rddreg [dreg:$0x1];
	s1 =	srdreg.scid  }
0x3: {  	s10 =	rddreg [dreg:$0x2];
	s2 =	stileid.u32;
	s1 =	sand.u32 $0x1, s1  }
0x4: {  	s4 =	simm.s32 $0x0;
	s2 =	sshll.u32 s2, $0x7;
	s3 =	sshll.u32 s1, $0x6  }
0x5: {  	[smem:$0x7FF] =	sst s4;
	s0 =	sadd.s32 $0x400, s0;
	s2 =	sor.u32 s3, s2  }
0x6: {  	_ =	strace $0x80000047;
	[dreg:$0x4] =	wrdreg s0;
	s26 =	sor.u32 $0x1, s2  }
0x7: {  	s28 =	sor.u32 $0x3, s2;
	[dreg:$0x9] =	wrdreg s26  }
0x8: {  	s1 =	ssub.s32 $0x2, s1;
	s29 =	sor.u32 $0x2, s2;
	[dreg:$0xa] =	wrdreg s28  }
0x9: {  	s22 =	sshrl.u32 s1, $0x1;
	s30 =	sor.u32 $0x4, s2;
	[dreg:$0xb] =	wrdreg s29  }
0xa: {  	s3 =	sshll.u32 s2, $0xC;
	s31 =	sor.u32 $0x5, s2;
	[dreg:$0xc] =	wrdreg s30  }
0xb: {  	s0 =	ssub.s32 s1, s22;
	s24 =	sadd.s32 s10, s3;
	[dreg:$0xd] =	wrdreg s31  }
.Ltmp0:
0xc: {  	s5 =	sadd.s32 s9, s3;
	[dreg:$0x7] =	wrdreg s24;
	(pc) =	sbr.rel .LBB2_1-.Ltmp0, $4  }
0xd: {  	s0 =	smax.u32 s0, $0x1;
	[dreg:$0x5] =	wrdreg s5  }
0xe: {  	s23 =	sadd.s32 $0x1000, s5;
	[dreg:$0xe] =	wrdreg s0  }
0xf: {  	s11 =	simm.s32 $0x80;
	s25 =	sadd.s32 $0x2000, s5;
	[dreg:$0x6] =	wrdreg s23  }
0x10: {  	s12 =	simm.s32 $0x10080;
	s2 =	simm.s32 $0x0;
	[dreg:$0x8] =	wrdreg s25  }
.LBB2_12:
0x11: {  	s1 =	simm.s32 $0x4  }
0x12: {  	_ =	swait.ge [sflag:s1], $0x8000  }
0x13: {  	s2 =	rddreg [dreg:$0xf]  }
0x14: {  	s0 =	rddreg [dreg:$0xe];
	s2 =	sadd.s32 $0x1, s2  }
0x15: {  	p0 =	sne.s32 s2, s0  }
.Ltmp1:
0x16: {  	_ = 	snop;
	(pc) =	sbr.rel @!p0 .LBB2_13-.Ltmp1, $3  }
0x17: {  	_ =	sdelay $0x1  }
0x18: {  	[sflag:s1] =	ssyncset.done $0x0  }
0x19: {  	[sflag:s1] =	ssyncadd.s32 $0xFFFF8000  }
.LBB2_1:
0x1a: {  	[dreg:$0xf] =	wrdreg s2  }
0x1b: {  	s0 =	rddreg [dreg:$0x4];
	s22 =	simm.s32 $0x7  }
0x1c: {  	[tilespmem:s4], [sflag:$0x7] =	stream.linear.gather [hbm4b:s0+s4], $0x80, $0x38;
	[tilespmem:$0x18080] =	vst v63  }
0x1d: {  	_ =	swait.ge [sflag:s22], $0x80  }
0x1e: {  	[sflag:s22] =	ssyncset.done $0x0  }
0x1f: {  	s23 =	rddreg [dreg:$0x5];
	[sflag:s22] =	ssyncadd.s32 $0xFFFFFF80  }
0x20: {  	[tilespmem:s11], [sflag:$0x1] =	stream.linear.gather [hbm4b:s23+s4], $0x8000, $0x38;
	[tilespmem:$0x18080] =	vst v63  }
0x21: {  	s1 =	simm.s32 $0x8080;
	s25 =	simm.s32 $0x1;
	s24 =	rddreg [dreg:$0x6]  }
0x22: {  	[tilespmem:s1], [sflag:$0x2] =	stream.linear.gather [hbm4b:s24+s4], $0x8000, $0x38;
	[tilespmem:$0x18080] =	vst v63  }
0x23: {  	_ =	swait.ge [sflag:s25], $0x8000  }
0x24: {  	s26 =	sand.u32 $0x7C00, s4;
	s28 =	sand.u32 $0x380, s4;
	[sflag:s25] =	ssyncset.done $0x0  }
0x25: {  	s0 =	sor.u32 s28, s26;
	[sflag:s25] =	ssyncadd.s32 $0xFFFF8000  }
0x26: {  	v3 =	vld [tilespmem:s0+$0xF0]  }
0x27: {  	v8 =	vld [tilespmem:s0+$0x80]  }
0x28: {  	v16 =	vld [tilespmem:s0+$0x90]  }
0x29: {  	v17 =	vld [tilespmem:s0+$0xA0]  }
0x2a: {  	v9 =	vld [tilespmem:s0+$0xB0]  }
0x2b: {  	s29 =	simm.s32 $0x4;
	s30 =	simm.s32 $0x400;
	v10 =	vld [tilespmem:s0+$0xC0]  }
0x2c: {  	s2 =	sand.u32 $0x7C00, s30;
	s1 =	sand.u32 $0x380, s29;
	v11 =	vld [tilespmem:s0+$0xD0]  }
0x2d: {  	s2 =	sor.u32 s1, s2;
	v14 =	vld [tilespmem:s0+$0xE0]  }
0x2e: {  	v18 =	vld [tilespmem:s2+$0xF0]  }
0x2f: {  	v0 =	vmul.f32 $5.333333490e+00, v3  }
0x30: {  	v1 =	vmul.f32 $5.333333490e+00, v8;
	v2 =	vmul.f32 $5.333333490e+00, v16  }
0x31: {  	v4 =	vmul.f32 $5.333333490e+00, v17;
	v5 =	vmul.f32 $5.333333490e+00, v9;
	v0 =	vadd.f32 $3.200000000e+01, v0  }
0x32: {  	v6 =	vmul.f32 $5.333333490e+00, v10;
	v7 =	vmul.f32 $5.333333490e+00, v11  }
0x33: {  	v12 =	vmul.f32 $5.333333490e+00, v14;
	v20 =	vmul.f32 $5.333333490e+00, v18;
	v0 =	vmax.f32 v0, $0.0e+00  }
0x34: {  	v1 =	vadd.f32 $3.200000000e+01, v1;
	v2 =	vadd.f32 $3.200000000e+01, v2;
	v0 =	vmin.f32 v0, $6.300000000e+01  }
0x35: {  	v4 =	vadd.f32 $3.200000000e+01, v4;
	v5 =	vadd.f32 $3.200000000e+01, v5;
	v0 =	vtrunc.f32 v0  }
0x36: {  	v6 =	vadd.f32 $3.200000000e+01, v6;
	v7 =	vadd.f32 $3.200000000e+01, v7;
	v0 =	vcvt.f32.s32 v0  }
0x37: {  	v12 =	vadd.f32 $3.200000000e+01, v12;
	v1 =	vmax.f32 v1, $0.0e+00;
	v2 =	vmax.f32 v2, $0.0e+00  }
0x38: {  	v4 =	vmax.f32 v4, $0.0e+00;
	v5 =	vmax.f32 v5, $0.0e+00;
	v6 =	vmax.f32 v6, $0.0e+00  }
0x39: {  	v7 =	vmax.f32 v7, $0.0e+00;
	v1 =	vmin.f32 v1, $6.300000000e+01;
	v5 =	vmin.f32 v5, $6.300000000e+01  }
0x3a: {  	v6 =	vmin.f32 v6, $6.300000000e+01;
	v1 =	vtrunc.f32 v1;
	v15 =	vtrunc.f32 v5;
	v5 =	vld [tilespmem:s2+$0x90]  }
0x3b: {  	v12 =	vmax.f32 v12, $0.0e+00;
	v6 =	vtrunc.f32 v6;
	v19 =	vcvt.f32.s32 v1;
	v1 =	vld [tilespmem:s2+$0xA0]  }
0x3c: {  	v2 =	vmin.f32 v2, $6.300000000e+01;
	v4 =	vmin.f32 v4, $6.300000000e+01;
	v23 =	vcvt.f32.s32 v6;
	v13 =	vld.idx.msk [tilespmem:v0+s4+$0x0], $0xffff  }
0x3d: {  	v6 =	vadd.f32 $3.200000000e+01, v20;
	v0 =	vtrunc.f32 v2;
	v2 =	vtrunc.f32 v4;
	v4 =	vld [tilespmem:s2+$0x80]  }
0x3e: {  	v7 =	vmin.f32 v7, $6.300000000e+01;
	v12 =	vmin.f32 v12, $6.300000000e+01;
	v22 =	vcvt.f32.s32 v2;
	v2 =	vld [tilespmem:s2+$0xB0]  }
0x3f: {  	v12 =	vtrunc.f32 v12;
	v25 =	vmax.f32 v6, $0.0e+00;
	v21 =	vcvt.f32.s32 v0;
	v0 =	vld [tilespmem:s2+$0xC0]  }
0x40: {  	v7 =	vtrunc.f32 v7;
	v24 =	vcvt.f32.s32 v12;
	v25 =	vmin.f32 v25, $6.300000000e+01  }
0x41: {  	v26 =	vmul.f32 $5.333333490e+00, v5;
	v25 =	vtrunc.f32 v25  }
0x42: {  	v6 =	vld [tilespmem:s2+$0xE0];
	v27 =	vmul.f32 $5.333333490e+00, v1;
	v25 =	vcvt.f32.s32 v25;
	v20 =	vshll.u32 v13, $0x10  }
0x43: {  	v12 =	vmul.f32 v20, v3;
	v20 =	vmul.f32 $5.333333490e+00, v4  }
0x44: {  	v26 =	vadd.f32 $3.200000000e+01, v26;
	v3 =	vld [tilespmem:s2+$0xD0];
	v28 =	vmul.f32 $5.333333490e+00, v2;
	v29 =	vmul.f32 $5.333333490e+00, v0  }
0x45: {  	v15 =	vcvt.f32.s32 v15;
	v20 =	vadd.f32 $3.200000000e+01, v20;
	[tilespmem:s0+$0xF0] =	vst v12;
	v12 =	vadd.f32 $3.200000000e+01, v27  }
0x46: {  	v7 =	vcvt.f32.s32 v7;
	v30 =	vld.idx.msk [tilespmem:v21+s4+$0x0], $0xffff;
	v27 =	vadd.f32 $3.200000000e+01, v28;
	v28 =	vadd.f32 $3.200000000e+01, v29  }
0x47: {  	v26 =	vmax.f32 v26, $0.0e+00;
	v29 =	vld.idx.msk [tilespmem:v19+s4+$0x0], $0xffff;
	v19 =	vmul.f32 $5.333333490e+00, v6;
	v20 =	vmax.f32 v20, $0.0e+00  }
0x48: {  	[tilespmem:s0+$0xF0] =	vst.add.f32.msk $0xffff, v13;
	v12 =	vmax.f32 v12, $0.0e+00;
	v27 =	vmax.f32 v27, $0.0e+00;
	v21 =	vmax.f32 v28, $0.0e+00  }
0x49: {  	v28 =	vld.idx.msk [tilespmem:v22+s4+$0x0], $0xffff;
	v19 =	vadd.f32 $3.200000000e+01, v19;
	v22 =	vmin.f32 v26, $6.300000000e+01;
	v13 =	vmul.f32 $5.333333490e+00, v3  }
0x4a: {  	v25 =	vld.idx.msk [tilespmem:v25+s4+$0x0], $0xffff;
	v20 =	vmin.f32 v20, $6.300000000e+01;
	v12 =	vmin.f32 v12, $6.300000000e+01;
	v26 =	vmin.f32 v27, $6.300000000e+01  }
0x4b: {  	s31 =	simm.s32 $0x8;
	s3 =	simm.s32 $0x800;
	v27 =	vld.idx.msk [tilespmem:v15+s4+$0x0], $0xffff;
	v15 =	vmax.f32 v19, $0.0e+00;
	v19 =	vtrunc.f32 v20;
	v20 =	vtrunc.f32 v22  }
0x4c: {  	s3 =	sand.u32 $0x7C00, s3;
	s1 =	sand.u32 $0x380, s31;
	v35 =	vld.idx.msk [tilespmem:v23+s4+$0x0], $0xffff;
	v21 =	vmin.f32 v21, $6.300000000e+01;
	v22 =	vtrunc.f32 v12;
	v23 =	vtrunc.f32 v26  }
0x4d: {  	s5 =	sor.u32 s1, s3;
	v12 =	vld.idx.msk [tilespmem:v7+s4+$0x0], $0xffff;
	v26 =	vtrunc.f32 v21;
	v33 =	vshll.u32 v30, $0x10;
	v13 =	vadd.f32 $3.200000000e+01, v13  }
0x4e: {  	v21 =	vld [tilespmem:s5+$0xF0];
	v7 =	vmin.f32 v15, $6.300000000e+01;
	v19 =	vcvt.f32.s32 v19;
	v20 =	vcvt.f32.s32 v20  }
0x4f: {  	v15 =	vld.idx.msk [tilespmem:v24+s4+$0x0], $0xffff;
	v24 =	vshll.u32 v29, $0x10;
	v22 =	vcvt.f32.s32 v22;
	v33 =	vmul.f32 v33, v16  }
0x50: {  	v32 =	vtrunc.f32 v7;
	v7 =	vshll.u32 v25, $0x10;
	v24 =	vmul.f32 v24, v8;
	v8 =	vld [tilespmem:s5+$0xA0]  }
0x51: {  	v23 =	vcvt.f32.s32 v23;
	v13 =	vmax.f32 v13, $0.0e+00;
	v18 =	vmul.f32 v7, v18;
	v7 =	vld [tilespmem:s5+$0x90];
	[tilespmem:s0+$0x90] =	vst v33  }
0x52: {  	v26 =	vcvt.f32.s32 v26;
	v34 =	vshll.u32 v28, $0x10;
	v13 =	vmin.f32 v13, $6.300000000e+01;
	[tilespmem:s0+$0x90] =	vst.add.f32.msk $0xffff, v30  }
0x53: {  	v32 =	vcvt.f32.s32 v32;
	v36 =	vshll.u32 v27, $0x10;
	v31 =	vtrunc.f32 v13;
	v13 =	vld [tilespmem:s5+$0x80];
	[tilespmem:s2+$0xF0] =	vst v18  }
0x54: {  	v34 =	vmul.f32 v34, v17;
	v18 =	vshll.u32 v35, $0x10;
	v17 =	vmul.f32 $5.333333490e+00, v21;
	[tilespmem:s2+$0xF0] =	vst.add.f32.msk $0xffff, v25  }
0x55: {  	v16 =	vshll.u32 v12, $0x10;
	v31 =	vcvt.f32.s32 v31;
	v37 =	vmul.f32 v18, v10;
	v10 =	vld [tilespmem:s5+$0xC0]  }
0x56: {  	v38 =	vmul.f32 v16, v11;
	v11 =	vld [tilespmem:s5+$0xD0];
	v17 =	vadd.f32 $3.200000000e+01, v17;
	v39 =	vmul.f32 $5.333333490e+00, v8  }
0x57: {  	v25 =	vmul.f32 v36, v9;
	v9 =	vld [tilespmem:s5+$0xB0];
	v53 =	vshll.u32 v15, $0x10;
	v18 =	vmul.f32 $5.333333490e+00, v7  }
0x58: {  	[tilespmem:s0+$0x80] =	vst v24;
	v36 =	vmul.f32 v53, v14;
	v14 =	vld [tilespmem:s5+$0xE0];
	v17 =	vmax.f32 v17, $0.0e+00;
	v24 =	vadd.f32 $3.200000000e+01, v39  }
0x59: {  	[tilespmem:s0+$0x80] =	vst.add.f32.msk $0xffff, v29;
	v16 =	vmul.f32 $5.333333490e+00, v13;
	v41 =	vadd.f32 $3.200000000e+01, v18;
	v18 =	vmin.f32 v17, $6.300000000e+01  }
0x5a: {  	[tilespmem:s0+$0xA0] =	vst v34;
	v17 =	vld.idx.msk [tilespmem:v20+s4+$0x0], $0xffff;
	v20 =	vmul.f32 $5.333333490e+00, v10;
	v55 =	vtrunc.f32 v18  }
0x5b: {  	[tilespmem:s0+$0xA0] =	vst.add.f32.msk $0xffff, v28;
	v56 =	vmul.f32 $5.333333490e+00, v11;
	v24 =	vmax.f32 v24, $0.0e+00;
	v40 =	vadd.f32 $3.200000000e+01, v16  }
0x5c: {  	[tilespmem:s0+$0xB0] =	vst v25;
	v16 =	vld.idx.msk [tilespmem:v19+s4+$0x0], $0xffff;
	v19 =	vmul.f32 $5.333333490e+00, v9;
	v39 =	vcvt.f32.s32 v55;
	v25 =	vmax.f32 v41, $0.0e+00  }
0x5d: {  	[tilespmem:s0+$0xB0] =	vst.add.f32.msk $0xffff, v27;
	v58 =	vmul.f32 $5.333333490e+00, v14;
	v61 =	vmin.f32 v24, $6.300000000e+01;
	v57 =	vadd.f32 $3.200000000e+01, v20  }
0x5e: {  	v18 =	vld.idx.msk [tilespmem:v22+s4+$0x0], $0xffff;
	v34 =	vadd.f32 $3.200000000e+01, v56;
	v25 =	vmin.f32 v25, $6.300000000e+01;
	v30 =	vtrunc.f32 v61  }
0x5f: {  	v54 =	vmax.f32 v40, $0.0e+00;
	v22 =	vadd.f32 $3.200000000e+01, v19;
	v19 =	vld.idx.msk [tilespmem:v23+s4+$0x0], $0xffff;
	v60 =	vadd.f32 $3.200000000e+01, v58  }
0x60: {  	v23 =	vld.idx.msk [tilespmem:v31+s4+$0x0], $0xffff;
	v31 =	vmin.f32 v54, $6.300000000e+01;
	v59 =	vmax.f32 v57, $0.0e+00;
	v24 =	vmax.f32 v34, $0.0e+00  }
0x61: {  	v20 =	vld.idx.msk [tilespmem:v26+s4+$0x0], $0xffff;
	v34 =	vtrunc.f32 v25;
	v26 =	vmax.f32 v22, $0.0e+00;
	v29 =	vmin.f32 v59, $6.300000000e+01  }
0x62: {  	[tilespmem:s0+$0xC0] =	vst v37;
	v22 =	vld.idx.msk [tilespmem:v32+s4+$0x0], $0xffff;
	v62 =	vmax.f32 v60, $0.0e+00;
	v31 =	vtrunc.f32 v31;
	v63 =	vmin.f32 v24, $6.300000000e+01  }
0x63: {  	[tilespmem:s0+$0xD0] =	vst v38;
	v27 =	vshll.u32 v18, $0x10;
	v26 =	vmin.f32 v26, $6.300000000e+01;
	v37 =	vmin.f32 v62, $6.300000000e+01;
	v24 =	vld.idx.msk [tilespmem:v39+s4+$0x0], $0xffff  }
0x64: {  	[tilespmem:s0+$0xE0] =	vst v36;
	v25 =	vshll.u32 v16, $0x10;
	v29 =	vtrunc.f32 v29;
	v32 =	vtrunc.f32 v63  }
0x65: {  	s6 =	simm.s32 $0xC00;
	s1 =	simm.s32 $0x10;
	s3 =	simm.s32 $0xC;
	[tilespmem:s0+$0xC0] =	vst.add.f32.msk $0xffff, v35;
	v33 =	vtrunc.f32 v26;
	v26 =	vshll.u32 v17, $0x10;
	v28 =	vtrunc.f32 v37  }
.LBB2_2:
0x66: {  	s7 =	sand.u32 $0x7C00, s6;
	s8 =	sand.u32 $0x380, s3;
	v31 =	vcvt.f32.s32 v31;
	v34 =	vcvt.f32.s32 v34;
	v35 =	vshll.u32 v19, $0x10;
	[tilespmem:s0+$0xD0] =	vst.add.f32.msk $0xffff, v12;
	v12 =	vmovc v23  }
0x67: {  	s1 =	sadd.s32 $0x8, s1;
	v23 =	vcvt.f32.s32 v30;
	v30 =	vcvt.f32.s32 v33;
	v33 =	vshll.u32 v20, $0x10;
	s7 =	sor.u32 s8, s7;
	[tilespmem:s0+$0xE0] =	vst.add.f32.msk $0xffff, v15;
	v15 =	vmovc v22;
	s0 =	smov.u32 s2  }
0x68: {  	v29 =	vcvt.f32.s32 v29;
	v32 =	vcvt.f32.s32 v32;
	p0 =	slt.u32 s1, $0x7F8;
	v36 =	vshll.u32 v24, $0x10;
	s2 =	smov.u32 s5;
	v22 =	vld [tilespmem:s7+$0xF0];
	s5 =	smov.u32 s7  }
0x69: {  	v28 =	vcvt.f32.s32 v28;
	v21 =	vmul.f32 v36, v21;
	v36 =	vshll.u32 v12, $0x10;
	v37 =	vld [tilespmem:s5+$0x80]  }
0x6a: {  	v25 =	vmul.f32 v25, v4;
	v26 =	vmul.f32 v26, v5;
	v4 =	vmovc v13;
	v5 =	vmovc v7;
	v38 =	vshll.u32 v15, $0x10;
	v7 =	vld [tilespmem:s5+$0x90]  }
0x6b: {  	v27 =	vmul.f32 v27, v1;
	v1 =	vmovc v8;
	v35 =	vmul.f32 v35, v2;
	v2 =	vmov v9;
	[tilespmem:s2+$0xF0] =	vst v21;
	v8 =	vld [tilespmem:s5+$0xA0]  }
0x6c: {  	[tilespmem:s2+$0xF0] =	vst.add.f32.msk $0xffff, v24;
	v24 =	vmul.f32 v33, v0;
	v33 =	vmul.f32 v36, v3;
	v0 =	vmovc v10;
	v3 =	vmov v11  }
0x6d: {  	v9 =	vld [tilespmem:s5+$0xB0];
	v36 =	vmul.f32 $5.333333490e+00, v22;
	[tilespmem:s0+$0x80] =	vst v25;
	v25 =	vmul.f32 v38, v6;
	v21 =	vmovc v22;
	v6 =	vmov v14  }
0x6e: {  	v14 =	vmul.f32 $5.333333490e+00, v37;
	v10 =	vld [tilespmem:s5+$0xC0];
	[tilespmem:s0+$0x90] =	vst v26;
	v13 =	vmov v37  }
0x6f: {  	v22 =	vmul.f32 $5.333333490e+00, v7;
	v11 =	vld [tilespmem:s5+$0xD0];
	v26 =	vadd.f32 $3.200000000e+01, v36;
	[tilespmem:s0+$0xA0] =	vst v27  }
0x70: {  	v27 =	vadd.f32 $3.200000000e+01, v14;
	v36 =	vmul.f32 $5.333333490e+00, v8;
	v14 =	vld [tilespmem:s5+$0xE0];
	[tilespmem:s0+$0xB0] =	vst v35  }
0x71: {  	v22 =	vadd.f32 $3.200000000e+01, v22;
	v26 =	vmax.f32 v26, $0.0e+00;
	v31 =	vld.idx.msk [tilespmem:v31+s4+$0x0], $0xffff;
	[tilespmem:s0+$0xC0] =	vst v24  }
0x72: {  	v24 =	vadd.f32 $3.200000000e+01, v36;
	v35 =	vmul.f32 $5.333333490e+00, v9;
	v26 =	vmin.f32 v26, $6.300000000e+01;
	v34 =	vld.idx.msk [tilespmem:v34+s4+$0x0], $0xffff;
	[tilespmem:s0+$0xD0] =	vst v33  }
0x73: {  	v27 =	vmax.f32 v27, $0.0e+00;
	v33 =	vmul.f32 $5.333333490e+00, v10;
	v26 =	vtrunc.f32 v26;
	v36 =	vld.idx.msk [tilespmem:v23+s4+$0x0], $0xffff;
	[tilespmem:s0+$0xE0] =	vst v25  }
0x74: {  	v23 =	vadd.f32 $3.200000000e+01, v35;
	v25 =	vmul.f32 $5.333333490e+00, v11;
	v26 =	vcvt.f32.s32 v26;
	v35 =	vld.idx.msk [tilespmem:v30+s4+$0x0], $0xffff  }
0x75: {  	v30 =	vmax.f32 v22, $0.0e+00;
	v22 =	vadd.f32 $3.200000000e+01, v33;
	v33 =	vmul.f32 $5.333333490e+00, v14;
	v37 =	vld.idx.msk [tilespmem:v29+s4+$0x0], $0xffff  }
0x76: {  	v24 =	vmax.f32 v24, $0.0e+00;
	v29 =	vmax.f32 v23, $0.0e+00;
	v25 =	vadd.f32 $3.200000000e+01, v25;
	v23 =	vld.idx.msk [tilespmem:v32+s4+$0x0], $0xffff  }
0x77: {  	v27 =	vmin.f32 v27, $6.300000000e+01;
	v32 =	vmax.f32 v22, $0.0e+00;
	v33 =	vadd.f32 $3.200000000e+01, v33;
	v22 =	vld.idx.msk [tilespmem:v28+s4+$0x0], $0xffff  }
0x78: {  	v28 =	vmin.f32 v30, $6.300000000e+01;
	v30 =	vmin.f32 v24, $6.300000000e+01;
	v24 =	vmax.f32 v25, $0.0e+00;
	[tilespmem:s0+$0x80] =	vst.add.f32.msk $0xffff, v16;
	v16 =	vmovc v31  }
.Ltmp2:
0x79: {  	v29 =	vmin.f32 v29, $6.300000000e+01;
	v32 =	vmin.f32 v32, $6.300000000e+01;
	v25 =	vmax.f32 v33, $0.0e+00;
	[tilespmem:s0+$0x90] =	vst.add.f32.msk $0xffff, v17;
	v17 =	vmovc v34;
	(pc) =	sbr.rel @p0 .LBB2_2-.Ltmp2, $4  }
0x7a: {  	v31 =	vtrunc.f32 v27;
	v27 =	vmin.f32 v24, $6.300000000e+01;
	v38 =	vmin.f32 v25, $6.300000000e+01;
	v24 =	vld.idx.msk [tilespmem:v26+s4+$0x0], $0xffff  }
0x7b: {  	v30 =	vtrunc.f32 v30;
	v34 =	vtrunc.f32 v28;
	v25 =	vshll.u32 v16, $0x10;
	[tilespmem:s0+$0xA0] =	vst.add.f32.msk $0xffff, v18;
	v18 =	vmovc v36  }
0x7c: {  	v33 =	vtrunc.f32 v29;
	v29 =	vtrunc.f32 v32;
	v26 =	vshll.u32 v17, $0x10;
	[tilespmem:s0+$0xB0] =	vst.add.f32.msk $0xffff, v19;
	v19 =	vmovc v35  }
0x7d: {  	s3 =	sadd.s32 $0x4, s3;
	s6 =	sadd.s32 $0x400, s6;
	v32 =	vtrunc.f32 v27;
	v28 =	vtrunc.f32 v38;
	v27 =	vshll.u32 v18, $0x10;
	[tilespmem:s0+$0xC0] =	vst.add.f32.msk $0xffff, v20;
	v20 =	vmovc v37  }
0x7e: {  	[tilespmem:s0+$0xD0] =	vst.add.f32.msk $0xffff, v12;
	v4 =	vmul.f32 v25, v4  }
0x7f: {  	[tilespmem:s0+$0xE0] =	vst.add.f32.msk $0xffff, v15;
	v5 =	vmul.f32 v26, v5  }
0x80: {  	v45 =	vshll.u32 v19, $0x10;
	v1 =	vmul.f32 v27, v1;
	[tilespmem:s2+$0x80] =	vst v4  }
0x81: {  	v48 =	vshll.u32 v20, $0x10;
	v2 =	vmul.f32 v45, v2;
	[tilespmem:s2+$0x90] =	vst v5  }
0x82: {  	v0 =	vmul.f32 v48, v0;
	[tilespmem:s2+$0xA0] =	vst v1  }
0x83: {  	[tilespmem:s2+$0xB0] =	vst v2  }
0x84: {  	v31 =	vcvt.f32.s32 v31;
	[tilespmem:s2+$0xC0] =	vst v0  }
0x85: {  	v34 =	vcvt.f32.s32 v34;
	[tilespmem:s2+$0x80] =	vst.add.f32.msk $0xffff, v16  }
0x86: {  	v41 =	vcvt.f32.s32 v30;
	[tilespmem:s2+$0x90] =	vst.add.f32.msk $0xffff, v17  }
0x87: {  	v42 =	vcvt.f32.s32 v33;
	[tilespmem:s2+$0xA0] =	vst.add.f32.msk $0xffff, v18  }
0x88: {  	v43 =	vcvt.f32.s32 v29;
	[tilespmem:s2+$0xB0] =	vst.add.f32.msk $0xffff, v19  }
0x89: {  	v50 =	vshll.u32 v23, $0x10;
	[tilespmem:s2+$0xC0] =	vst.add.f32.msk $0xffff, v20  }
0x8a: {  	v52 =	vshll.u32 v22, $0x10;
	v3 =	vmul.f32 v50, v3;
	v47 =	vld.idx.msk [tilespmem:v31+s4+$0x0], $0xffff  }
0x8b: {  	v35 =	vshll.u32 v24, $0x10;
	v6 =	vmul.f32 v52, v6;
	v49 =	vld.idx.msk [tilespmem:v34+s4+$0x0], $0xffff  }
0x8c: {  	v21 =	vmul.f32 v35, v21;
	[tilespmem:s2+$0xD0] =	vst v3;
	v51 =	vld.idx.msk [tilespmem:v41+s4+$0x0], $0xffff  }
0x8d: {  	[tilespmem:s2+$0xE0] =	vst v6;
	v53 =	vld.idx.msk [tilespmem:v42+s4+$0x0], $0xffff  }
0x8e: {  	v44 =	vcvt.f32.s32 v32;
	[tilespmem:s5+$0xF0] =	vst v21;
	v54 =	vld.idx.msk [tilespmem:v43+s4+$0x0], $0xffff  }
0x8f: {  	v46 =	vcvt.f32.s32 v28;
	[tilespmem:s2+$0xD0] =	vst.add.f32.msk $0xffff, v23;
	v57 =	vshll.u32 v47, $0x10  }
0x90: {  	[tilespmem:s2+$0xE0] =	vst.add.f32.msk $0xffff, v22;
	v58 =	vshll.u32 v49, $0x10;
	v12 =	vmul.f32 v57, v13  }
0x91: {  	[tilespmem:s5+$0xF0] =	vst.add.f32.msk $0xffff, v24;
	v59 =	vshll.u32 v51, $0x10;
	v7 =	vmul.f32 v58, v7  }
0x92: {  	v60 =	vshll.u32 v53, $0x10;
	v8 =	vmul.f32 v59, v8;
	[tilespmem:s5+$0x80] =	vst v12  }
0x93: {  	v61 =	vshll.u32 v54, $0x10;
	v9 =	vmul.f32 v60, v9;
	[tilespmem:s5+$0x90] =	vst v7  }
0x94: {  	v55 =	vld.idx.msk [tilespmem:v44+s4+$0x0], $0xffff;
	v10 =	vmul.f32 v61, v10;
	[tilespmem:s5+$0xA0] =	vst v8  }
0x95: {  	v56 =	vld.idx.msk [tilespmem:v46+s4+$0x0], $0xffff;
	[tilespmem:s5+$0xB0] =	vst v9  }
0x96: {  	[tilespmem:s5+$0xC0] =	vst v10  }
0x97: {  	[tilespmem:s5+$0x80] =	vst.add.f32.msk $0xffff, v47  }
0x98: {  	[tilespmem:s5+$0x90] =	vst.add.f32.msk $0xffff, v49  }
0x99: {  	v62 =	vshll.u32 v55, $0x10;
	[tilespmem:s5+$0xA0] =	vst.add.f32.msk $0xffff, v51  }
0x9a: {  	v63 =	vshll.u32 v56, $0x10;
	v7 =	vmul.f32 v62, v11;
	[tilespmem:s5+$0xB0] =	vst.add.f32.msk $0xffff, v53  }
0x9b: {  	v8 =	vmul.f32 v63, v14;
	[tilespmem:s5+$0xC0] =	vst.add.f32.msk $0xffff, v54  }
0x9c: {  	[tilespmem:s5+$0xD0] =	vst v7  }
0x9d: {  	[tilespmem:s5+$0xE0] =	vst v8  }
0x9e: {  	[tilespmem:s5+$0xD0] =	vst.add.f32.msk $0xffff, v55  }
0x9f: {  	[tilespmem:s5+$0xE0] =	vst.add.f32.msk $0xffff, v56  }
0xa0: {  	s1 =	simm.s32 $0x0;
	s0 =	rddreg [dreg:$0x7]  }
0xa1: {  	[hbm4b:s0+s1] =	stream.linear.scatter [tilespmem:s11], [sflag:$0x4], $0x8000, $0x38;
	[tilespmem:$0x18080] =	vst v63  }
0xa2: {  	s13 =	simm.s32 $0x0;
	s31 =	rddreg [dreg:$0x8]  }
0xa3: {  	[tilespmem:s12], [sflag:$0x3] =	stream.linear.gather [hbm4b:s31+s1], $0x8000, $0x38;
	[tilespmem:$0x18080] =	vst v63  }
.LBB2_4:
0xa4: {  	s2 =	simm.s32 $0x2  }
0xa5: {  	s1 =	simm.s32 $0x0;
	_ =	swait.ge [sflag:s2], $0x8000  }
0xa6: {  	s0 =	sand.u32 $0x7C00, s1;
	s1 =	sand.u32 $0x380, s1;
	[sflag:s2] =	ssyncset.done $0x0  }
0xa7: {  	s0 =	sor.u32 s1, s0;
	[sflag:s2] =	ssyncadd.s32 $0xFFFF8000  }
0xa8: {  	v3 =	vld [tilespmem:s0+$0x80F0]  }
0xa9: {  	v8 =	vld [tilespmem:s0+$0x8080]  }
0xaa: {  	v16 =	vld [tilespmem:s0+$0x8090]  }
0xab: {  	v17 =	vld [tilespmem:s0+$0x80A0]  }
0xac: {  	v9 =	vld [tilespmem:s0+$0x80B0]  }
0xad: {  	s29 =	simm.s32 $0x4;
	s30 =	simm.s32 $0x400;
	v10 =	vld [tilespmem:s0+$0x80C0]  }
0xae: {  	s1 =	sand.u32 $0x380, s29;
	s2 =	sand.u32 $0x7C00, s30;
	v11 =	vld [tilespmem:s0+$0x80D0]  }
0xaf: {  	v14 =	vld [tilespmem:s0+$0x80E0];
	s2 =	sor.u32 s1, s2  }
0xb0: {  	v18 =	vld [tilespmem:s2+$0x80F0]  }
0xb1: {  	v0 =	vmul.f32 $5.333333490e+00, v3  }
0xb2: {  	v1 =	vmul.f32 $5.333333490e+00, v8;
	v2 =	vmul.f32 $5.333333490e+00, v16  }
0xb3: {  	v4 =	vmul.f32 $5.333333490e+00, v17;
	v5 =	vmul.f32 $5.333333490e+00, v9;
	v0 =	vadd.f32 $3.200000000e+01, v0  }
0xb4: {  	v6 =	vmul.f32 $5.333333490e+00, v10;
	v7 =	vmul.f32 $5.333333490e+00, v11  }
0xb5: {  	v12 =	vmul.f32 $5.333333490e+00, v14;
	v20 =	vmul.f32 $5.333333490e+00, v18;
	v0 =	vmax.f32 v0, $0.0e+00  }
0xb6: {  	v1 =	vadd.f32 $3.200000000e+01, v1;
	v2 =	vadd.f32 $3.200000000e+01, v2;
	v0 =	vmin.f32 v0, $6.300000000e+01  }
0xb7: {  	v4 =	vadd.f32 $3.200000000e+01, v4;
	v5 =	vadd.f32 $3.200000000e+01, v5;
	v0 =	vtrunc.f32 v0  }
0xb8: {  	v6 =	vadd.f32 $3.200000000e+01, v6;
	v7 =	vadd.f32 $3.200000000e+01, v7;
	v0 =	vcvt.f32.s32 v0  }
0xb9: {  	v12 =	vadd.f32 $3.200000000e+01, v12;
	v1 =	vmax.f32 v1, $0.0e+00;
	v2 =	vmax.f32 v2, $0.0e+00  }
0xba: {  	v4 =	vmax.f32 v4, $0.0e+00;
	v5 =	vmax.f32 v5, $0.0e+00;
	v6 =	vmax.f32 v6, $0.0e+00  }
0xbb: {  	v7 =	vmax.f32 v7, $0.0e+00;
	v1 =	vmin.f32 v1, $6.300000000e+01;
	v5 =	vmin.f32 v5, $6.300000000e+01  }
0xbc: {  	v6 =	vmin.f32 v6, $6.300000000e+01;
	v1 =	vtrunc.f32 v1;
	v15 =	vtrunc.f32 v5;
	v5 =	vld [tilespmem:s2+$0x8090]  }
0xbd: {  	v12 =	vmax.f32 v12, $0.0e+00;
	v6 =	vtrunc.f32 v6;
	v19 =	vcvt.f32.s32 v1;
	v1 =	vld [tilespmem:s2+$0x80A0]  }
0xbe: {  	v2 =	vmin.f32 v2, $6.300000000e+01;
	v4 =	vmin.f32 v4, $6.300000000e+01;
	v23 =	vcvt.f32.s32 v6;
	v13 =	vld.idx.msk [tilespmem:v0+s4+$0x0], $0xffff  }
0xbf: {  	v6 =	vadd.f32 $3.200000000e+01, v20;
	v0 =	vtrunc.f32 v2;
	v2 =	vtrunc.f32 v4;
	v4 =	vld [tilespmem:s2+$0x8080]  }
0xc0: {  	v7 =	vmin.f32 v7, $6.300000000e+01;
	v12 =	vmin.f32 v12, $6.300000000e+01;
	v22 =	vcvt.f32.s32 v2;
	v2 =	vld [tilespmem:s2+$0x80B0]  }
0xc1: {  	v12 =	vtrunc.f32 v12;
	v25 =	vmax.f32 v6, $0.0e+00;
	v21 =	vcvt.f32.s32 v0;
	v0 =	vld [tilespmem:s2+$0x80C0]  }
0xc2: {  	v7 =	vtrunc.f32 v7;
	v24 =	vcvt.f32.s32 v12;
	v25 =	vmin.f32 v25, $6.300000000e+01  }
0xc3: {  	v26 =	vmul.f32 $5.333333490e+00, v5;
	v25 =	vtrunc.f32 v25  }
0xc4: {  	v6 =	vld [tilespmem:s2+$0x80E0];
	v27 =	vmul.f32 $5.333333490e+00, v1;
	v25 =	vcvt.f32.s32 v25;
	v20 =	vshll.u32 v13, $0x10  }
0xc5: {  	v12 =	vmul.f32 v20, v3;
	v20 =	vmul.f32 $5.333333490e+00, v4  }
0xc6: {  	v26 =	vadd.f32 $3.200000000e+01, v26;
	v3 =	vld [tilespmem:s2+$0x80D0];
	v28 =	vmul.f32 $5.333333490e+00, v2;
	v29 =	vmul.f32 $5.333333490e+00, v0  }
0xc7: {  	v15 =	vcvt.f32.s32 v15;
	v20 =	vadd.f32 $3.200000000e+01, v20;
	[tilespmem:s0+$0x80F0] =	vst v12;
	v12 =	vadd.f32 $3.200000000e+01, v27  }
0xc8: {  	v7 =	vcvt.f32.s32 v7;
	v30 =	vld.idx.msk [tilespmem:v21+s4+$0x0], $0xffff;
	v27 =	vadd.f32 $3.200000000e+01, v28;
	v28 =	vadd.f32 $3.200000000e+01, v29  }
0xc9: {  	v26 =	vmax.f32 v26, $0.0e+00;
	v29 =	vld.idx.msk [tilespmem:v19+s4+$0x0], $0xffff;
	v19 =	vmul.f32 $5.333333490e+00, v6;
	v20 =	vmax.f32 v20, $0.0e+00  }
0xca: {  	[tilespmem:s0+$0x80F0] =	vst.add.f32.msk $0xffff, v13;
	v12 =	vmax.f32 v12, $0.0e+00;
	v27 =	vmax.f32 v27, $0.0e+00;
	v21 =	vmax.f32 v28, $0.0e+00  }
0xcb: {  	v28 =	vld.idx.msk [tilespmem:v22+s4+$0x0], $0xffff;
	v19 =	vadd.f32 $3.200000000e+01, v19;
	v22 =	vmin.f32 v26, $6.300000000e+01;
	v13 =	vmul.f32 $5.333333490e+00, v3  }
0xcc: {  	v25 =	vld.idx.msk [tilespmem:v25+s4+$0x0], $0xffff;
	v20 =	vmin.f32 v20, $6.300000000e+01;
	v12 =	vmin.f32 v12, $6.300000000e+01;
	v26 =	vmin.f32 v27, $6.300000000e+01  }
0xcd: {  	s31 =	simm.s32 $0x8;
	s3 =	simm.s32 $0x800;
	v27 =	vld.idx.msk [tilespmem:v15+s4+$0x0], $0xffff;
	v15 =	vmax.f32 v19, $0.0e+00;
	v19 =	vtrunc.f32 v20;
	v20 =	vtrunc.f32 v22  }
0xce: {  	s3 =	sand.u32 $0x7C00, s3;
	s1 =	sand.u32 $0x380, s31;
	v35 =	vld.idx.msk [tilespmem:v23+s4+$0x0], $0xffff;
	v21 =	vmin.f32 v21, $6.300000000e+01;
	v22 =	vtrunc.f32 v12;
	v23 =	vtrunc.f32 v26  }
0xcf: {  	s5 =	sor.u32 s1, s3;
	v12 =	vld.idx.msk [tilespmem:v7+s4+$0x0], $0xffff;
	v26 =	vtrunc.f32 v21;
	v33 =	vshll.u32 v30, $0x10;
	v13 =	vadd.f32 $3.200000000e+01, v13  }
0xd0: {  	v21 =	vld [tilespmem:s5+$0x80F0];
	v7 =	vmin.f32 v15, $6.300000000e+01;
	v19 =	vcvt.f32.s32 v19;
	v20 =	vcvt.f32.s32 v20  }
0xd1: {  	v15 =	vld.idx.msk [tilespmem:v24+s4+$0x0], $0xffff;
	v24 =	vshll.u32 v29, $0x10;
	v22 =	vcvt.f32.s32 v22;
	v33 =	vmul.f32 v33, v16  }
0xd2: {  	v32 =	vtrunc.f32 v7;
	v7 =	vshll.u32 v25, $0x10;
	v24 =	vmul.f32 v24, v8;
	v8 =	vld [tilespmem:s5+$0x80A0]  }
0xd3: {  	v23 =	vcvt.f32.s32 v23;
	v13 =	vmax.f32 v13, $0.0e+00;
	v18 =	vmul.f32 v7, v18;
	v7 =	vld [tilespmem:s5+$0x8090];
	[tilespmem:s0+$0x8090] =	vst v33  }
0xd4: {  	v26 =	vcvt.f32.s32 v26;
	v34 =	vshll.u32 v28, $0x10;
	v13 =	vmin.f32 v13, $6.300000000e+01;
	[tilespmem:s0+$0x8090] =	vst.add.f32.msk $0xffff, v30  }
0xd5: {  	v32 =	vcvt.f32.s32 v32;
	v36 =	vshll.u32 v27, $0x10;
	v31 =	vtrunc.f32 v13;
	v13 =	vld [tilespmem:s5+$0x8080];
	[tilespmem:s2+$0x80F0] =	vst v18  }
0xd6: {  	v34 =	vmul.f32 v34, v17;
	v18 =	vshll.u32 v35, $0x10;
	v17 =	vmul.f32 $5.333333490e+00, v21;
	[tilespmem:s2+$0x80F0] =	vst.add.f32.msk $0xffff, v25  }
0xd7: {  	v16 =	vshll.u32 v12, $0x10;
	v31 =	vcvt.f32.s32 v31;
	v37 =	vmul.f32 v18, v10;
	v10 =	vld [tilespmem:s5+$0x80C0]  }
0xd8: {  	v38 =	vmul.f32 v16, v11;
	v11 =	vld [tilespmem:s5+$0x80D0];
	v17 =	vadd.f32 $3.200000000e+01, v17;
	v39 =	vmul.f32 $5.333333490e+00, v8  }
0xd9: {  	v25 =	vmul.f32 v36, v9;
	v9 =	vld [tilespmem:s5+$0x80B0];
	v53 =	vshll.u32 v15, $0x10;
	v18 =	vmul.f32 $5.333333490e+00, v7  }
0xda: {  	[tilespmem:s0+$0x8080] =	vst v24;
	v36 =	vmul.f32 v53, v14;
	v14 =	vld [tilespmem:s5+$0x80E0];
	v17 =	vmax.f32 v17, $0.0e+00;
	v24 =	vadd.f32 $3.200000000e+01, v39  }
0xdb: {  	[tilespmem:s0+$0x8080] =	vst.add.f32.msk $0xffff, v29;
	v16 =	vmul.f32 $5.333333490e+00, v13;
	v41 =	vadd.f32 $3.200000000e+01, v18;
	v18 =	vmin.f32 v17, $6.300000000e+01  }
0xdc: {  	[tilespmem:s0+$0x80A0] =	vst v34;
	v17 =	vld.idx.msk [tilespmem:v20+s4+$0x0], $0xffff;
	v20 =	vmul.f32 $5.333333490e+00, v10;
	v55 =	vtrunc.f32 v18  }
0xdd: {  	[tilespmem:s0+$0x80A0] =	vst.add.f32.msk $0xffff, v28;
	v56 =	vmul.f32 $5.333333490e+00, v11;
	v24 =	vmax.f32 v24, $0.0e+00;
	v40 =	vadd.f32 $3.200000000e+01, v16  }
0xde: {  	[tilespmem:s0+$0x80B0] =	vst v25;
	v16 =	vld.idx.msk [tilespmem:v19+s4+$0x0], $0xffff;
	v19 =	vmul.f32 $5.333333490e+00, v9;
	v39 =	vcvt.f32.s32 v55;
	v25 =	vmax.f32 v41, $0.0e+00  }
0xdf: {  	[tilespmem:s0+$0x80B0] =	vst.add.f32.msk $0xffff, v27;
	v58 =	vmul.f32 $5.333333490e+00, v14;
	v61 =	vmin.f32 v24, $6.300000000e+01;
	v57 =	vadd.f32 $3.200000000e+01, v20  }
0xe0: {  	v18 =	vld.idx.msk [tilespmem:v22+s4+$0x0], $0xffff;
	v34 =	vadd.f32 $3.200000000e+01, v56;
	v25 =	vmin.f32 v25, $6.300000000e+01;
	v30 =	vtrunc.f32 v61  }
0xe1: {  	v54 =	vmax.f32 v40, $0.0e+00;
	v22 =	vadd.f32 $3.200000000e+01, v19;
	v19 =	vld.idx.msk [tilespmem:v23+s4+$0x0], $0xffff;
	v60 =	vadd.f32 $3.200000000e+01, v58  }
0xe2: {  	v23 =	vld.idx.msk [tilespmem:v31+s4+$0x0], $0xffff;
	v31 =	vmin.f32 v54, $6.300000000e+01;
	v59 =	vmax.f32 v57, $0.0e+00;
	v24 =	vmax.f32 v34, $0.0e+00  }
0xe3: {  	v20 =	vld.idx.msk [tilespmem:v26+s4+$0x0], $0xffff;
	v34 =	vtrunc.f32 v25;
	v26 =	vmax.f32 v22, $0.0e+00;
	v29 =	vmin.f32 v59, $6.300000000e+01  }
0xe4: {  	[tilespmem:s0+$0x80C0] =	vst v37;
	v22 =	vld.idx.msk [tilespmem:v32+s4+$0x0], $0xffff;
	v62 =	vmax.f32 v60, $0.0e+00;
	v31 =	vtrunc.f32 v31;
	v63 =	vmin.f32 v24, $6.300000000e+01  }
0xe5: {  	[tilespmem:s0+$0x80D0] =	vst v38;
	v27 =	vshll.u32 v18, $0x10;
	v26 =	vmin.f32 v26, $6.300000000e+01;
	v37 =	vmin.f32 v62, $6.300000000e+01;
	v24 =	vld.idx.msk [tilespmem:v39+s4+$0x0], $0xffff  }
0xe6: {  	[tilespmem:s0+$0x80E0] =	vst v36;
	v25 =	vshll.u32 v16, $0x10;
	v29 =	vtrunc.f32 v29;
	v32 =	vtrunc.f32 v63  }
0xe7: {  	s6 =	simm.s32 $0xC00;
	s1 =	simm.s32 $0x10;
	s3 =	simm.s32 $0xC;
	[tilespmem:s0+$0x80C0] =	vst.add.f32.msk $0xffff, v35;
	v33 =	vtrunc.f32 v26;
	v26 =	vshll.u32 v17, $0x10;
	v28 =	vtrunc.f32 v37  }
.LBB2_5:
0xe8: {  	s7 =	sand.u32 $0x7C00, s6;
	s8 =	sand.u32 $0x380, s3;
	v31 =	vcvt.f32.s32 v31;
	v34 =	vcvt.f32.s32 v34;
	v35 =	vshll.u32 v19, $0x10;
	[tilespmem:s0+$0x80D0] =	vst.add.f32.msk $0xffff, v12;
	v12 =	vmovc v23  }
0xe9: {  	s1 =	sadd.s32 $0x8, s1;
	v23 =	vcvt.f32.s32 v30;
	v30 =	vcvt.f32.s32 v33;
	v33 =	vshll.u32 v20, $0x10;
	s7 =	sor.u32 s8, s7;
	[tilespmem:s0+$0x80E0] =	vst.add.f32.msk $0xffff, v15;
	v15 =	vmovc v22;
	s0 =	smov.u32 s2  }
0xea: {  	v29 =	vcvt.f32.s32 v29;
	v32 =	vcvt.f32.s32 v32;
	p0 =	slt.u32 s1, $0x7F8;
	v36 =	vshll.u32 v24, $0x10;
	s2 =	smov.u32 s5;
	v22 =	vld [tilespmem:s7+$0x80F0];
	s5 =	smov.u32 s7  }
0xeb: {  	v28 =	vcvt.f32.s32 v28;
	v21 =	vmul.f32 v36, v21;
	v36 =	vshll.u32 v12, $0x10;
	v37 =	vld [tilespmem:s5+$0x8080]  }
0xec: {  	v25 =	vmul.f32 v25, v4;
	v26 =	vmul.f32 v26, v5;
	v4 =	vmovc v13;
	v5 =	vmovc v7;
	v38 =	vshll.u32 v15, $0x10;
	v7 =	vld [tilespmem:s5+$0x8090]  }
0xed: {  	v27 =	vmul.f32 v27, v1;
	v1 =	vmovc v8;
	v35 =	vmul.f32 v35, v2;
	v2 =	vmov v9;
	[tilespmem:s2+$0x80F0] =	vst v21;
	v8 =	vld [tilespmem:s5+$0x80A0]  }
0xee: {  	[tilespmem:s2+$0x80F0] =	vst.add.f32.msk $0xffff, v24;
	v24 =	vmul.f32 v33, v0;
	v33 =	vmul.f32 v36, v3;
	v0 =	vmovc v10;
	v3 =	vmov v11  }
0xef: {  	v9 =	vld [tilespmem:s5+$0x80B0];
	v36 =	vmul.f32 $5.333333490e+00, v22;
	[tilespmem:s0+$0x8080] =	vst v25;
	v25 =	vmul.f32 v38, v6;
	v21 =	vmovc v22;
	v6 =	vmov v14  }
0xf0: {  	v14 =	vmul.f32 $5.333333490e+00, v37;
	v10 =	vld [tilespmem:s5+$0x80C0];
	[tilespmem:s0+$0x8090] =	vst v26;
	v13 =	vmov v37  }
0xf1: {  	v22 =	vmul.f32 $5.333333490e+00, v7;
	v11 =	vld [tilespmem:s5+$0x80D0];
	v26 =	vadd.f32 $3.200000000e+01, v36;
	[tilespmem:s0+$0x80A0] =	vst v27  }
0xf2: {  	v27 =	vadd.f32 $3.200000000e+01, v14;
	v36 =	vmul.f32 $5.333333490e+00, v8;
	v14 =	vld [tilespmem:s5+$0x80E0];
	[tilespmem:s0+$0x80B0] =	vst v35  }
0xf3: {  	v22 =	vadd.f32 $3.200000000e+01, v22;
	v26 =	vmax.f32 v26, $0.0e+00;
	v31 =	vld.idx.msk [tilespmem:v31+s4+$0x0], $0xffff;
	[tilespmem:s0+$0x80C0] =	vst v24  }
0xf4: {  	v24 =	vadd.f32 $3.200000000e+01, v36;
	v35 =	vmul.f32 $5.333333490e+00, v9;
	v26 =	vmin.f32 v26, $6.300000000e+01;
	v34 =	vld.idx.msk [tilespmem:v34+s4+$0x0], $0xffff;
	[tilespmem:s0+$0x80D0] =	vst v33  }
0xf5: {  	v27 =	vmax.f32 v27, $0.0e+00;
	v33 =	vmul.f32 $5.333333490e+00, v10;
	v26 =	vtrunc.f32 v26;
	v36 =	vld.idx.msk [tilespmem:v23+s4+$0x0], $0xffff;
	[tilespmem:s0+$0x80E0] =	vst v25  }
0xf6: {  	v23 =	vadd.f32 $3.200000000e+01, v35;
	v25 =	vmul.f32 $5.333333490e+00, v11;
	v26 =	vcvt.f32.s32 v26;
	v35 =	vld.idx.msk [tilespmem:v30+s4+$0x0], $0xffff  }
0xf7: {  	v30 =	vmax.f32 v22, $0.0e+00;
	v22 =	vadd.f32 $3.200000000e+01, v33;
	v33 =	vmul.f32 $5.333333490e+00, v14;
	v37 =	vld.idx.msk [tilespmem:v29+s4+$0x0], $0xffff  }
0xf8: {  	v24 =	vmax.f32 v24, $0.0e+00;
	v29 =	vmax.f32 v23, $0.0e+00;
	v25 =	vadd.f32 $3.200000000e+01, v25;
	v23 =	vld.idx.msk [tilespmem:v32+s4+$0x0], $0xffff  }
0xf9: {  	v27 =	vmin.f32 v27, $6.300000000e+01;
	v32 =	vmax.f32 v22, $0.0e+00;
	v33 =	vadd.f32 $3.200000000e+01, v33;
	v22 =	vld.idx.msk [tilespmem:v28+s4+$0x0], $0xffff  }
0xfa: {  	v28 =	vmin.f32 v30, $6.300000000e+01;
	v30 =	vmin.f32 v24, $6.300000000e+01;
	v24 =	vmax.f32 v25, $0.0e+00;
	[tilespmem:s0+$0x8080] =	vst.add.f32.msk $0xffff, v16;
	v16 =	vmovc v31  }
.Ltmp3:
0xfb: {  	v29 =	vmin.f32 v29, $6.300000000e+01;
	v32 =	vmin.f32 v32, $6.300000000e+01;
	v25 =	vmax.f32 v33, $0.0e+00;
	[tilespmem:s0+$0x8090] =	vst.add.f32.msk $0xffff, v17;
	v17 =	vmovc v34;
	(pc) =	sbr.rel @p0 .LBB2_5-.Ltmp3, $4  }
0xfc: {  	v31 =	vtrunc.f32 v27;
	v27 =	vmin.f32 v24, $6.300000000e+01;
	v38 =	vmin.f32 v25, $6.300000000e+01;
	v24 =	vld.idx.msk [tilespmem:v26+s4+$0x0], $0xffff  }
0xfd: {  	v30 =	vtrunc.f32 v30;
	v34 =	vtrunc.f32 v28;
	v25 =	vshll.u32 v16, $0x10;
	[tilespmem:s0+$0x80A0] =	vst.add.f32.msk $0xffff, v18;
	v18 =	vmovc v36  }
0xfe: {  	v33 =	vtrunc.f32 v29;
	v29 =	vtrunc.f32 v32;
	v26 =	vshll.u32 v17, $0x10;
	[tilespmem:s0+$0x80B0] =	vst.add.f32.msk $0xffff, v19;
	v19 =	vmovc v35  }
0xff: {  	s3 =	sadd.s32 $0x4, s3;
	s6 =	sadd.s32 $0x400, s6;
	v32 =	vtrunc.f32 v27;
	v28 =	vtrunc.f32 v38;
	v27 =	vshll.u32 v18, $0x10;
	[tilespmem:s0+$0x80C0] =	vst.add.f32.msk $0xffff, v20;
	v20 =	vmovc v37  }
0x100: {  	[tilespmem:s0+$0x80D0] =	vst.add.f32.msk $0xffff, v12;
	v4 =	vmul.f32 v25, v4  }
0x101: {  	[tilespmem:s0+$0x80E0] =	vst.add.f32.msk $0xffff, v15;
	v5 =	vmul.f32 v26, v5  }
0x102: {  	v1 =	vmul.f32 v27, v1;
	v26 =	vshll.u32 v20, $0x10;
	[tilespmem:s2+$0x8080] =	vst v4  }
0x103: {  	v0 =	vmul.f32 v26, v0;
	[tilespmem:s2+$0x8090] =	vst v5  }
0x104: {  	[tilespmem:s2+$0x80A0] =	vst v1  }
0x105: {  	[tilespmem:s2+$0x80C0] =	vst v0  }
0x106: {  	v31 =	vcvt.f32.s32 v31;
	v35 =	vshll.u32 v24, $0x10;
	[tilespmem:s2+$0x8080] =	vst.add.f32.msk $0xffff, v16  }
0x107: {  	v34 =	vcvt.f32.s32 v34;
	v21 =	vmul.f32 v35, v21;
	[tilespmem:s2+$0x8090] =	vst.add.f32.msk $0xffff, v17  }
0x108: {  	v12 =	vcvt.f32.s32 v30;
	[tilespmem:s2+$0x80A0] =	vst.add.f32.msk $0xffff, v18  }
0x109: {  	[tilespmem:s5+$0x80F0] =	vst v21  }
0x10a: {  	v15 =	vcvt.f32.s32 v29;
	[tilespmem:s2+$0x80C0] =	vst.add.f32.msk $0xffff, v20  }
0x10b: {  	v30 =	vcvt.f32.s32 v33;
	[tilespmem:s5+$0x80F0] =	vst.add.f32.msk $0xffff, v24  }
0x10c: {  	v24 =	vshll.u32 v19, $0x10;
	v4 =	vld.idx.msk [tilespmem:v31+s4+$0x0], $0xffff  }
0x10d: {  	v2 =	vmul.f32 v24, v2;
	v5 =	vld.idx.msk [tilespmem:v34+s4+$0x0], $0xffff;
	v24 =	vshll.u32 v23, $0x10  }
0x10e: {  	v1 =	vld.idx.msk [tilespmem:v12+s4+$0x0], $0xffff;
	v12 =	vshll.u32 v22, $0x10;
	v3 =	vmul.f32 v24, v3  }
0x10f: {  	v21 =	vcvt.f32.s32 v32;
	v6 =	vmul.f32 v12, v6;
	[tilespmem:s2+$0x80B0] =	vst v2  }
0x110: {  	v25 =	vcvt.f32.s32 v28;
	v0 =	vld.idx.msk [tilespmem:v15+s4+$0x0], $0xffff;
	[tilespmem:s2+$0x80D0] =	vst v3  }
0x111: {  	v2 =	vld.idx.msk [tilespmem:v30+s4+$0x0], $0xffff;
	[tilespmem:s2+$0x80E0] =	vst v6  }
0x112: {  	[tilespmem:s2+$0x80B0] =	vst.add.f32.msk $0xffff, v19;
	v12 =	vshll.u32 v4, $0x10  }
0x113: {  	[tilespmem:s2+$0x80D0] =	vst.add.f32.msk $0xffff, v23;
	v15 =	vshll.u32 v5, $0x10;
	v12 =	vmul.f32 v12, v13  }
0x114: {  	[tilespmem:s2+$0x80E0] =	vst.add.f32.msk $0xffff, v22;
	v13 =	vshll.u32 v1, $0x10;
	v7 =	vmul.f32 v15, v7  }
0x115: {  	v3 =	vld.idx.msk [tilespmem:v21+s4+$0x0], $0xffff;
	v8 =	vmul.f32 v13, v8;
	[tilespmem:s5+$0x8080] =	vst v12  }
0x116: {  	v6 =	vld.idx.msk [tilespmem:v25+s4+$0x0], $0xffff;
	[tilespmem:s5+$0x8090] =	vst v7  }
0x117: {  	v15 =	vshll.u32 v2, $0x10;
	[tilespmem:s5+$0x80A0] =	vst v8  }
0x118: {  	v9 =	vmul.f32 v15, v9;
	[tilespmem:s5+$0x8080] =	vst.add.f32.msk $0xffff, v4  }
0x119: {  	v12 =	vshll.u32 v0, $0x10;
	[tilespmem:s5+$0x8090] =	vst.add.f32.msk $0xffff, v5  }
0x11a: {  	v7 =	vshll.u32 v3, $0x10;
	v10 =	vmul.f32 v12, v10;
	[tilespmem:s5+$0x80B0] =	vst v9  }
0x11b: {  	v8 =	vshll.u32 v6, $0x10;
	v7 =	vmul.f32 v7, v11;
	[tilespmem:s5+$0x80A0] =	vst.add.f32.msk $0xffff, v1  }
0x11c: {  	v8 =	vmul.f32 v8, v14;
	[tilespmem:s5+$0x80C0] =	vst v10  }
0x11d: {  	[tilespmem:s5+$0x80D0] =	vst v7  }
0x11e: {  	[tilespmem:s5+$0x80E0] =	vst v8  }
0x11f: {  	[dreg:$0x10] =	wrdreg s13  }
0x120: {  	[tilespmem:s5+$0x80B0] =	vst.add.f32.msk $0xffff, v2  }
0x121: {  	s30 =	smul.u32 $0x3, s13;
	[tilespmem:s5+$0x80C0] =	vst.add.f32.msk $0xffff, v0  }
0x122: {  	s0 =	rddreg [dreg:$0x9]  }
0x123: {  	s0 =	sadd.s32 s30, s0  }
0x124: {  	s1 =	simm.s32 $0x0;
	[tilespmem:s5+$0x80D0] =	vst.add.f32.msk $0xffff, v3;
	s0 =	sshll.u32 s0, $0xC  }
0x125: {  	s17 =	simm.s32 $0x8080;
	s18 =	simm.s32 $0x4;
	[tilespmem:s5+$0x80E0] =	vst.add.f32.msk $0xffff, v6;
	s0 =	sadd.s32 s10, s0  }
0x126: {  	[hbm4b:s0+s1] =	stream.linear.scatter [tilespmem:s17], [sflag:$0x5], $0x8000, $0x38;
	[tilespmem:$0x18080] =	vst v63  }
0x127: {  	_ =	swait.ge [sflag:s18], $0x8000  }
0x128: {  	s19 =	rddreg [dreg:$0xa]  }
0x129: {  	s0 =	sadd.s32 s30, s19  }
0x12a: {  	s20 =	simm.s32 $0x3;
	[sflag:s18] =	ssyncset.done $0x0;
	s0 =	sshll.u32 s0, $0xC  }
0x12b: {  	[sflag:s18] =	ssyncadd.s32 $0xFFFF8000;
	[dreg:$0x11] =	wrdreg s0;
	s0 =	sadd.s32 s9, s0  }
0x12c: {  	[tilespmem:s11], [sflag:$0x1] =	stream.linear.gather [hbm4b:s0+s1], $0x8000, $0x38;
	[tilespmem:$0x18080] =	vst v63  }
0x12d: {  	_ =	swait.ge [sflag:s20], $0x8000  }
0x12e: {  	s21 =	sand.u32 $0x7C00, s1;
	s1 =	sand.u32 $0x380, s1;
	[sflag:s20] =	ssyncset.done $0x0  }
0x12f: {  	s0 =	sor.u32 s1, s21;
	[sflag:s20] =	ssyncadd.s32 $0xFFFF8000  }
0x130: {  	s6 =	sadd.s32 $0x10080, s0;
	v15 =	vld [tilespmem:s0+$0x10080]  }
0x131: {  	v6 =	vld [tilespmem:s6+$0x70]  }
0x132: {  	s22 =	simm.s32 $0x4;
	s23 =	simm.s32 $0x400;
	v9 =	vld [tilespmem:s6+$0x10]  }
0x133: {  	s2 =	sand.u32 $0x7C00, s23;
	s1 =	sand.u32 $0x380, s22;
	v10 =	vld [tilespmem:s6+$0x20]  }
0x134: {  	s2 =	sor.u32 s1, s2;
	v13 =	vld [tilespmem:s6+$0x50]  }
0x135: {  	s5 =	sadd.s32 $0x10080, s2;
	v16 =	vld [tilespmem:s6+$0x60]  }
0x136: {  	v18 =	vld [tilespmem:s5+$0x70]  }
0x137: {  	v17 =	vld [tilespmem:s6+$0x30]  }
0x138: {  	v0 =	vmul.f32 $5.333333490e+00, v15  }
0x139: {  	v1 =	vmul.f32 $5.333333490e+00, v6;
	v2 =	vmul.f32 $5.333333490e+00, v9  }
0x13a: {  	v14 =	vld [tilespmem:s6+$0x40];
	v3 =	vmul.f32 $5.333333490e+00, v10;
	v7 =	vmul.f32 $5.333333490e+00, v13  }
0x13b: {  	v8 =	vmul.f32 $5.333333490e+00, v16;
	v22 =	vmul.f32 $5.333333490e+00, v18;
	v0 =	vadd.f32 $3.200000000e+01, v0  }
0x13c: {  	v4 =	vmul.f32 $5.333333490e+00, v17;
	v1 =	vadd.f32 $3.200000000e+01, v1;
	v7 =	vadd.f32 $3.200000000e+01, v7  }
0x13d: {  	v8 =	vadd.f32 $3.200000000e+01, v8;
	v22 =	vadd.f32 $3.200000000e+01, v22;
	v5 =	vmax.f32 v0, $0.0e+00  }
0x13e: {  	v0 =	vadd.f32 $3.200000000e+01, v2;
	v2 =	vadd.f32 $3.200000000e+01, v3;
	v1 =	vmax.f32 v1, $0.0e+00  }
0x13f: {  	v3 =	vadd.f32 $3.200000000e+01, v4;
	v4 =	vmul.f32 $5.333333490e+00, v14;
	v7 =	vmax.f32 v7, $0.0e+00  }
0x140: {  	v8 =	vmax.f32 v8, $0.0e+00;
	v22 =	vmax.f32 v22, $0.0e+00;
	v1 =	vmin.f32 v1, $6.300000000e+01  }
0x141: {  	v7 =	vmin.f32 v7, $6.300000000e+01;
	v8 =	vmin.f32 v8, $6.300000000e+01;
	v22 =	vmin.f32 v22, $6.300000000e+01  }
0x142: {  	v0 =	vmax.f32 v0, $0.0e+00;
	v1 =	vtrunc.f32 v1;
	v4 =	vadd.f32 $3.200000000e+01, v4  }
0x143: {  	v2 =	vmax.f32 v2, $0.0e+00;
	v3 =	vmax.f32 v3, $0.0e+00;
	v22 =	vtrunc.f32 v22  }
0x144: {  	v1 =	vcvt.f32.s32 v1;
	v0 =	vmin.f32 v0, $6.300000000e+01;
	v2 =	vmin.f32 v2, $6.300000000e+01  }
0x145: {  	v3 =	vmin.f32 v3, $6.300000000e+01;
	v22 =	vcvt.f32.s32 v22;
	v11 =	vtrunc.f32 v0  }
0x146: {  	v4 =	vmax.f32 v4, $0.0e+00;
	v2 =	vtrunc.f32 v2;
	v12 =	vtrunc.f32 v3  }
0x147: {  	v0 =	vld [tilespmem:s2+$0x10080];
	v3 =	vmin.f32 v5, $6.300000000e+01;
	v5 =	vtrunc.f32 v7;
	v7 =	vtrunc.f32 v8  }
0x148: {  	v4 =	vmin.f32 v4, $6.300000000e+01;
	v8 =	vtrunc.f32 v3;
	v3 =	vld [tilespmem:s5+$0x10];
	v20 =	vcvt.f32.s32 v2  }
0x149: {  	v12 =	vcvt.f32.s32 v12;
	v2 =	vld [tilespmem:s5+$0x30];
	v4 =	vtrunc.f32 v4  }
0x14a: {  	v21 =	vcvt.f32.s32 v4;
	v4 =	vld [tilespmem:s5+$0x40]  }
0x14b: {  	v19 =	vld.idx.msk [tilespmem:v1+s4+$0x0], $0xffff  }
0x14c: {  	v1 =	vld [tilespmem:s5+$0x20]  }
0x14d: {  	v22 =	vld.idx.msk [tilespmem:v22+s4+$0x0], $0xffff  }
0x14e: {  	v23 =	vcvt.f32.s32 v5;
	v5 =	vld [tilespmem:s5+$0x50];
	v24 =	vmul.f32 $5.333333490e+00, v0  }
0x14f: {  	v11 =	vcvt.f32.s32 v11;
	v26 =	vmul.f32 $5.333333490e+00, v3;
	v31 =	vld.idx.msk [tilespmem:v12+s4+$0x0], $0xffff  }
0x150: {  	v7 =	vcvt.f32.s32 v7;
	v8 =	vcvt.f32.s32 v8;
	v24 =	vadd.f32 $3.200000000e+01, v24  }
0x151: {  	v26 =	vadd.f32 $3.200000000e+01, v26;
	v29 =	vmul.f32 $5.333333490e+00, v4;
	v25 =	vshll.u32 v19, $0x10  }
0x152: {  	v27 =	vmul.f32 $5.333333490e+00, v1;
	v50 =	vshll.u32 v22, $0x10;
	v25 =	vmul.f32 v25, v6;
	v6 =	vld [tilespmem:s5+$0x60]  }
0x153: {  	v28 =	vmax.f32 v24, $0.0e+00;
	v24 =	vmul.f32 $5.333333490e+00, v2;
	v18 =	vmul.f32 v50, v18  }
0x154: {  	s24 =	sor.u32 $0x70, s6;
	v51 =	vshll.u32 v31, $0x10;
	[tilespmem:s6+$0x70] =	vst v25;
	v25 =	vadd.f32 $3.200000000e+01, v27;
	v27 =	vmul.f32 $5.333333490e+00, v5  }
0x155: {  	v35 =	vmul.f32 v51, v17;
	[tilespmem:s24+$0x0] =	vst.add.f32.msk $0xffff, v19;
	v19 =	vadd.f32 $3.200000000e+01, v24;
	v24 =	vmax.f32 v26, $0.0e+00  }
0x156: {  	v26 =	vadd.f32 $3.200000000e+01, v29;
	v29 =	vld.idx.msk [tilespmem:v11+s4+$0x0], $0xffff;
	v25 =	vmax.f32 v25, $0.0e+00;
	v27 =	vadd.f32 $3.200000000e+01, v27  }
0x157: {  	s25 =	simm.s32 $0x8;
	s3 =	simm.s32 $0x800;
	s26 =	sor.u32 $0x70, s5;
	v30 =	vld.idx.msk [tilespmem:v20+s4+$0x0], $0xffff;
	[tilespmem:s5+$0x70] =	vst v18;
	v20 =	vmin.f32 v24, $6.300000000e+01;
	v11 =	vmul.f32 $5.333333490e+00, v6;
	v19 =	vmax.f32 v19, $0.0e+00  }
0x158: {  	s3 =	sand.u32 $0x7C00, s3;
	s1 =	sand.u32 $0x380, s25;
	[tilespmem:s26+$0x0] =	vst.add.f32.msk $0xffff, v22;
	v26 =	vmax.f32 v26, $0.0e+00;
	v12 =	vmin.f32 v25, $6.300000000e+01;
	v20 =	vtrunc.f32 v20  }
0x159: {  	s8 =	sor.u32 s1, s3;
	v24 =	vld.idx.msk [tilespmem:v21+s4+$0x0], $0xffff;
	v25 =	vmax.f32 v27, $0.0e+00;
	v19 =	vmin.f32 v19, $6.300000000e+01;
	v21 =	vmin.f32 v26, $6.300000000e+01  }
0x15a: {  	s7 =	sadd.s32 $0x10080, s8;
	v11 =	vadd.f32 $3.200000000e+01, v11;
	v26 =	vmin.f32 v25, $6.300000000e+01;
	v25 =	vld.idx.msk [tilespmem:v23+s4+$0x0], $0xffff;
	v21 =	vtrunc.f32 v21  }
0x15b: {  	v27 =	vtrunc.f32 v12;
	v48 =	vshll.u32 v29, $0x10;
	v49 =	vcvt.f32.s32 v21;
	v21 =	vld [tilespmem:s7+$0x70]  }
0x15c: {  	v20 =	vcvt.f32.s32 v20;
	v11 =	vmax.f32 v11, $0.0e+00;
	v32 =	vmul.f32 v48, v9;
	v9 =	vld [tilespmem:s7+$0x20]  }
0x15d: {  	v19 =	vtrunc.f32 v19;
	v27 =	vcvt.f32.s32 v27;
	v12 =	vmin.f32 v11, $6.300000000e+01;
	v11 =	vld.idx.msk [tilespmem:v7+s4+$0x0], $0xffff  }
0x15e: {  	v23 =	vmin.f32 v28, $6.300000000e+01;
	v26 =	vtrunc.f32 v26;
	v19 =	vcvt.f32.s32 v19;
	v7 =	vld [tilespmem:s8+$0x10080]  }
0x15f: {  	v28 =	vtrunc.f32 v12;
	v12 =	vld.idx.msk [tilespmem:v8+s4+$0x0], $0xffff;
	v8 =	vtrunc.f32 v23  }
0x160: {  	v26 =	vcvt.f32.s32 v26;
	v23 =	vshll.u32 v30, $0x10;
	v36 =	vcvt.f32.s32 v8;
	v8 =	vld [tilespmem:s7+$0x10]  }
0x161: {  	v52 =	vshll.u32 v24, $0x10;
	v37 =	vshll.u32 v25, $0x10;
	v23 =	vmul.f32 v23, v10;
	v10 =	vld [tilespmem:s7+$0x30]  }
0x162: {  	s15 =	sor.u32 $0x30, s6;
	[tilespmem:s6+$0x30] =	vst v35;
	v34 =	vmul.f32 v52, v14;
	v37 =	vmul.f32 v37, v13;
	v13 =	vld [tilespmem:s7+$0x50]  }
0x163: {  	[tilespmem:s15+$0x0] =	vst.add.f32.msk $0xffff, v31;
	v28 =	vcvt.f32.s32 v28;
	v18 =	vmul.f32 $5.333333490e+00, v7  }
0x164: {  	v14 =	vld [tilespmem:s7+$0x40];
	[tilespmem:s6+$0x10] =	vst v32;
	v38 =	vmul.f32 $5.333333490e+00, v21;
	v17 =	vshll.u32 v11, $0x10;
	v22 =	vshll.u32 v12, $0x10  }
0x165: {  	s29 =	sor.u32 $0x10, s6;
	[tilespmem:s6+$0x40] =	vst v34;
	v39 =	vmul.f32 v17, v16;
	v16 =	vadd.f32 $3.200000000e+01, v18;
	v17 =	vmul.f32 $5.333333490e+00, v8  }
0x166: {  	s19 =	sor.u32 $0x40, s6;
	[tilespmem:s29+$0x0] =	vst.add.f32.msk $0xffff, v29;
	v40 =	vmul.f32 v22, v15;
	v18 =	vmul.f32 $5.333333490e+00, v9;
	v22 =	vadd.f32 $3.200000000e+01, v38  }
0x167: {  	[tilespmem:s19+$0x0] =	vst.add.f32.msk $0xffff, v24;
	v42 =	vmul.f32 $5.333333490e+00, v10;
	v56 =	vmul.f32 $5.333333490e+00, v13;
	v53 =	vmax.f32 v16, $0.0e+00  }
0x168: {  	v15 =	vld [tilespmem:s7+$0x60];
	v41 =	vadd.f32 $3.200000000e+01, v17;
	v55 =	vadd.f32 $3.200000000e+01, v18;
	v18 =	vmax.f32 v22, $0.0e+00  }
0x169: {  	v16 =	vld.idx.msk [tilespmem:v20+s4+$0x0], $0xffff;
	v22 =	vadd.f32 $3.200000000e+01, v42;
	v20 =	vmul.f32 $5.333333490e+00, v14;
	v54 =	vmin.f32 v53, $6.300000000e+01  }
0x16a: {  	[tilespmem:s6+$0x20] =	vst v23;
	v17 =	vld.idx.msk [tilespmem:v27+s4+$0x0], $0xffff;
	v23 =	vmin.f32 v18, $6.300000000e+01;
	v35 =	vadd.f32 $3.200000000e+01, v56;
	v27 =	vmax.f32 v41, $0.0e+00  }
0x16b: {  	s31 =	sor.u32 $0x20, s6;
	v23 =	vtrunc.f32 v23;
	v57 =	vadd.f32 $3.200000000e+01, v20;
	v20 =	vld.idx.msk [tilespmem:v26+s4+$0x0], $0xffff;
	v26 =	vmax.f32 v55, $0.0e+00  }
0x16c: {  	[tilespmem:s31+$0x0] =	vst.add.f32.msk $0xffff, v30;
	v60 =	vmax.f32 v22, $0.0e+00;
	v32 =	vtrunc.f32 v54;
	v59 =	vcvt.f32.s32 v23  }
0x16d: {  	v18 =	vld.idx.msk [tilespmem:v19+s4+$0x0], $0xffff;
	v58 =	vmul.f32 $5.333333490e+00, v15;
	v27 =	vmin.f32 v27, $6.300000000e+01;
	v26 =	vmin.f32 v26, $6.300000000e+01  }
0x16e: {  	s28 =	simm.s32 $0xC;
	s17 =	simm.s32 $0x10;
	v23 =	vld.idx.msk [tilespmem:v28+s4+$0x0], $0xffff;
	v62 =	vmin.f32 v60, $6.300000000e+01;
	v35 =	vmax.f32 v35, $0.0e+00;
	v28 =	vmax.f32 v57, $0.0e+00  }
0x16f: {  	s21 =	sor.u32 $0x50, s6;
	s3 =	sor.u32 $0x60, s6;
	s1 =	simm.s32 $0xC00;
	v19 =	vld.idx.msk [tilespmem:v49+s4+$0x0], $0xffff;
	v35 =	vmin.f32 v35, $6.300000000e+01;
	v63 =	vtrunc.f32 v27;
	v61 =	vadd.f32 $3.200000000e+01, v58  }
0x170: {  	s10 =	sor.u32 $0x10, s5;
	s11 =	sor.u32 $0x20, s5;
	s14 =	sor.u32 $0x30, s5;
	[tilespmem:s6+$0x50] =	vst v37;
	v22 =	vld.idx.msk [tilespmem:v36+s4+$0x0], $0xffff;
	v27 =	vtrunc.f32 v26;
	v34 =	vtrunc.f32 v62;
	v28 =	vmin.f32 v28, $6.300000000e+01  }
0x171: {  	s13 =	sor.u32 $0x40, s5;
	s12 =	sor.u32 $0x50, s5;
	s18 =	sor.u32 $0x60, s5;
	[tilespmem:s21+$0x0] =	vst.add.f32.msk $0xffff, v25;
	v33 =	vshll.u32 v16, $0x10;
	v31 =	vtrunc.f32 v35;
	v29 =	vmax.f32 v61, $0.0e+00  }
0x172: {  	s9 =	sor.u32 $0x20, s7;
	s16 =	sor.u32 $0x40, s7;
	s20 =	sor.u32 $0x50, s7;
	[tilespmem:s6+$0x60] =	vst v39;
	v24 =	vcvt.f32.s32 v63;
	v25 =	vshll.u32 v18, $0x10;
	v30 =	vmin.f32 v29, $6.300000000e+01;
	v26 =	vld.idx.msk [tilespmem:v59+s4+$0x0], $0xffff  }
0x173: {  	s26 =	sor.u32 $0x60, s7;
	s15 =	sor.u32 $0x10, s7;
	s6 =	sor.u32 $0x30, s7;
	[tilespmem:s0+$0x10080] =	vst v40;
	v29 =	vtrunc.f32 v28;
	v28 =	vtrunc.f32 v30;
	v30 =	vshll.u32 v17, $0x10  }
.LBB2_7:
0x174: {  	s19 =	sand.u32 $0x7C00, s1;
	s22 =	sand.u32 $0x380, s28;
	v27 =	vcvt.f32.s32 v27;
	v34 =	vcvt.f32.s32 v34;
	v35 =	vshll.u32 v19, $0x10;
	[tilespmem:s3+$0x0] =	vst.add.f32.msk $0xffff, v11;
	v11 =	vmovc v23;
	s21 =	smov.u32 s20  }
0x175: {  	s17 =	sadd.s32 $0x8, s17;
	v23 =	vcvt.f32.s32 v29;
	v29 =	vcvt.f32.s32 v31;
	v31 =	vshll.u32 v20, $0x10;
	s3 =	sor.u32 s22, s19;
	[tilespmem:s0+$0x10080] =	vst.add.f32.msk $0xffff, v12;
	v12 =	vmovc v22;
	s0 =	smov.u32 s2  }
0x176: {  	v32 =	vcvt.f32.s32 v32;
	v28 =	vcvt.f32.s32 v28;
	p0 =	slt.u32 s17, $0x7F8;
	v36 =	vshll.u32 v11, $0x10;
	s2 =	smov.u32 s8;
	s22 =	sadd.s32 $0x10080, s3;
	v22 =	vld [tilespmem:s3+$0x10080]  }
0x177: {  	v33 =	vmul.f32 v33, v3;
	v3 =	vmovc v8;
	v38 =	vshll.u32 v26, $0x10;
	v39 =	vshll.u32 v12, $0x10;
	s19 =	sor.u32 $0x10, s22;
	s25 =	sor.u32 $0x20, s22;
	s24 =	sor.u32 $0x30, s22;
	v37 =	vld [tilespmem:s22+$0x70]  }
0x178: {  	v30 =	vmul.f32 v30, v1;
	v1 =	vmov v9;
	s23 =	sor.u32 $0x40, s22;
	s20 =	sor.u32 $0x50, s22;
	s29 =	sor.u32 $0x60, s22;
	v21 =	vmul.f32 v38, v21;
	v8 =	vld [tilespmem:s22+$0x10]  }
0x179: {  	v25 =	vmul.f32 v25, v2;
	v2 =	vmovc v10;
	s8 =	smov.u32 s3;
	s3 =	smov.u32 s18;
	s18 =	smov.u32 s26;
	v9 =	vld [tilespmem:s22+$0x20];
	[tilespmem:s5+$0x10] =	vst v33;
	v33 =	vmul.f32 v35, v4;
	v4 =	vmov v14  }
0x17a: {  	s31 =	sor.u32 $0x70, s7;
	v31 =	vmul.f32 v31, v5;
	v5 =	vmovc v13;
	s26 =	smov.u32 s29;
	v35 =	vmul.f32 v36, v6;
	v6 =	vmov v15;
	v10 =	vld [tilespmem:s22+$0x30];
	[tilespmem:s7+$0x70] =	vst v21  }
0x17b: {  	v13 =	vmul.f32 $5.333333490e+00, v22;
	[tilespmem:s31+$0x0] =	vst.add.f32.msk $0xffff, v26;
	v26 =	vmul.f32 v39, v0;
	v0 =	vmovc v7;
	v7 =	vmov v22  }
0x17c: {  	v14 =	vld [tilespmem:s22+$0x40];
	v22 =	vmul.f32 $5.333333490e+00, v37;
	[tilespmem:s5+$0x20] =	vst v30;
	v21 =	vmov v37  }
0x17d: {  	v30 =	vadd.f32 $3.200000000e+01, v13;
	v36 =	vmul.f32 $5.333333490e+00, v8;
	v13 =	vld [tilespmem:s22+$0x50];
	[tilespmem:s5+$0x30] =	vst v25  }
0x17e: {  	v25 =	vmul.f32 $5.333333490e+00, v9;
	v15 =	vld [tilespmem:s22+$0x60];
	v22 =	vadd.f32 $3.200000000e+01, v22;
	[tilespmem:s5+$0x40] =	vst v33  }
0x17f: {  	v30 =	vmax.f32 v30, $0.0e+00;
	v33 =	vadd.f32 $3.200000000e+01, v36;
	v36 =	vmul.f32 $5.333333490e+00, v10;
	v24 =	vld.idx.msk [tilespmem:v24+s4+$0x0], $0xffff;
	[tilespmem:s5+$0x50] =	vst v31  }
0x180: {  	v37 =	vmin.f32 v30, $6.300000000e+01;
	v25 =	vadd.f32 $3.200000000e+01, v25;
	v22 =	vmax.f32 v22, $0.0e+00;
	v27 =	vld.idx.msk [tilespmem:v27+s4+$0x0], $0xffff;
	[tilespmem:s5+$0x60] =	vst v35;
	s5 =	smov.u32 s7;
	s7 =	smov.u32 s22  }
0x181: {  	v30 =	vadd.f32 $3.200000000e+01, v36;
	v31 =	vmul.f32 $5.333333490e+00, v14;
	v22 =	vmin.f32 v22, $6.300000000e+01;
	v34 =	vld.idx.msk [tilespmem:v34+s4+$0x0], $0xffff;
	[tilespmem:s0+$0x10080] =	vst v26  }
0x182: {  	v26 =	vmax.f32 v33, $0.0e+00;
	v33 =	vmul.f32 $5.333333490e+00, v13;
	v22 =	vtrunc.f32 v22;
	v35 =	vld.idx.msk [tilespmem:v23+s4+$0x0], $0xffff  }
0x183: {  	v31 =	vadd.f32 $3.200000000e+01, v31;
	v36 =	vmul.f32 $5.333333490e+00, v15;
	v38 =	vcvt.f32.s32 v22;
	v39 =	vld.idx.msk [tilespmem:v29+s4+$0x0], $0xffff  }
0x184: {  	v25 =	vmax.f32 v25, $0.0e+00;
	v29 =	vmax.f32 v30, $0.0e+00;
	v30 =	vadd.f32 $3.200000000e+01, v33;
	v23 =	vld.idx.msk [tilespmem:v28+s4+$0x0], $0xffff  }
0x185: {  	v26 =	vmin.f32 v26, $6.300000000e+01;
	v28 =	vmax.f32 v31, $0.0e+00;
	v31 =	vadd.f32 $3.200000000e+01, v36;
	v22 =	vld.idx.msk [tilespmem:v32+s4+$0x0], $0xffff  }
0x186: {  	v25 =	vmin.f32 v25, $6.300000000e+01;
	v29 =	vmin.f32 v29, $6.300000000e+01;
	v30 =	vmax.f32 v30, $0.0e+00;
	[tilespmem:s10+$0x0] =	vst.add.f32.msk $0xffff, v16;
	v16 =	vmovc v24;
	s10 =	smov.u32 s15;
	s15 =	smov.u32 s19  }
.Ltmp4:
0x187: {  	v24 =	vmin.f32 v28, $6.300000000e+01;
	v28 =	vmin.f32 v30, $6.300000000e+01;
	v30 =	vmax.f32 v31, $0.0e+00;
	[tilespmem:s11+$0x0] =	vst.add.f32.msk $0xffff, v17;
	v17 =	vmovc v27;
	s11 =	smov.u32 s9;
	s9 =	smov.u32 s25;
	(pc) =	sbr.rel @p0 .LBB2_7-.Ltmp4, $4  }
0x188: {  	v36 =	vtrunc.f32 v26;
	v27 =	vtrunc.f32 v25;
	v25 =	vmin.f32 v30, $6.300000000e+01;
	[tilespmem:s14+$0x0] =	vst.add.f32.msk $0xffff, v18;
	v18 =	vmovc v34;
	s14 =	smov.u32 s6;
	s6 =	smov.u32 s24  }
0x189: {  	v33 =	vshll.u32 v16, $0x10;
	v34 =	vtrunc.f32 v29;
	v29 =	vtrunc.f32 v24;
	v26 =	vld.idx.msk [tilespmem:v38+s4+$0x0], $0xffff  }
0x18a: {  	v31 =	vtrunc.f32 v28;
	v30 =	vshll.u32 v17, $0x10;
	v28 =	vtrunc.f32 v25;
	[tilespmem:s13+$0x0] =	vst.add.f32.msk $0xffff, v19;
	v19 =	vmovc v35;
	s13 =	smov.u32 s16;
	s16 =	smov.u32 s23  }
0x18b: {  	s28 =	sadd.s32 $0x4, s28;
	s1 =	sadd.s32 $0x400, s1;
	v32 =	vtrunc.f32 v37;
	v24 =	vcvt.f32.s32 v36;
	v25 =	vshll.u32 v18, $0x10;
	[tilespmem:s12+$0x0] =	vst.add.f32.msk $0xffff, v20;
	v20 =	vmovc v39;
	s12 =	smov.u32 s21  }
0x18c: {  	[tilespmem:s3+$0x0] =	vst.add.f32.msk $0xffff, v11;
	v3 =	vmul.f32 v33, v3  }
0x18d: {  	[tilespmem:s0+$0x10080] =	vst.add.f32.msk $0xffff, v12;
	v1 =	vmul.f32 v30, v1  }
0x18e: {  	v2 =	vmul.f32 v25, v2;
	[tilespmem:s5+$0x10] =	vst v3  }
0x18f: {  	[tilespmem:s5+$0x20] =	vst v1  }
0x190: {  	[tilespmem:s5+$0x30] =	vst v2  }
0x191: {  	v12 =	vshll.u32 v22, $0x10;
	[tilespmem:s10+$0x0] =	vst.add.f32.msk $0xffff, v16  }
0x192: {  	v0 =	vmul.f32 v12, v0;
	[tilespmem:s11+$0x0] =	vst.add.f32.msk $0xffff, v17  }
0x193: {  	v35 =	vshll.u32 v26, $0x10;
	[tilespmem:s14+$0x0] =	vst.add.f32.msk $0xffff, v18  }
0x194: {  	v3 =	vshll.u32 v20, $0x10;
	v11 =	vmul.f32 v35, v21;
	[tilespmem:s2+$0x10080] =	vst v0  }
0x195: {  	v1 =	vshll.u32 v23, $0x10;
	v3 =	vmul.f32 v3, v5;
	[tilespmem:s2+$0x10080] =	vst.add.f32.msk $0xffff, v22  }
0x196: {  	v2 =	vcvt.f32.s32 v34;
	v1 =	vmul.f32 v1, v6;
	[tilespmem:s7+$0x70] =	vst v11  }
0x197: {  	v5 =	vcvt.f32.s32 v28;
	[tilespmem:s5+$0x50] =	vst v3  }
0x198: {  	s22 =	sor.u32 $0x70, s7;
	v6 =	vld.idx.msk [tilespmem:v24+s4+$0x0], $0xffff;
	[tilespmem:s5+$0x60] =	vst v1;
	v1 =	vcvt.f32.s32 v27  }
0x199: {  	v11 =	vshll.u32 v19, $0x10;
	v3 =	vcvt.f32.s32 v29;
	[tilespmem:s22+$0x0] =	vst.add.f32.msk $0xffff, v26  }
0x19a: {  	v4 =	vmul.f32 v11, v4;
	[tilespmem:s12+$0x0] =	vst.add.f32.msk $0xffff, v20  }
0x19b: {  	[tilespmem:s18+$0x0] =	vst.add.f32.msk $0xffff, v23;
	v11 =	vcvt.f32.s32 v32  }
0x19c: {  	[tilespmem:s5+$0x40] =	vst v4;
	v4 =	vcvt.f32.s32 v31;
	v2 =	vld.idx.msk [tilespmem:v2+s4+$0x0], $0xffff  }
0x19d: {  	v0 =	vld.idx.msk [tilespmem:v5+s4+$0x0], $0xffff  }
0x19e: {  	v1 =	vld.idx.msk [tilespmem:v1+s4+$0x0], $0xffff  }
0x19f: {  	v5 =	vshll.u32 v6, $0x10;
	v3 =	vld.idx.msk [tilespmem:v3+s4+$0x0], $0xffff  }
0x1a0: {  	[tilespmem:s13+$0x0] =	vst.add.f32.msk $0xffff, v19;
	v5 =	vmul.f32 v5, v8  }
0x1a1: {  	v8 =	vld.idx.msk [tilespmem:v11+s4+$0x0], $0xffff;
	v11 =	vshll.u32 v2, $0x10  }
0x1a2: {  	[tilespmem:s7+$0x10] =	vst v5;
	v4 =	vld.idx.msk [tilespmem:v4+s4+$0x0], $0xffff;
	v5 =	vmul.f32 v11, v10  }
0x1a3: {  	[tilespmem:s15+$0x0] =	vst.add.f32.msk $0xffff, v6;
	v12 =	vshll.u32 v1, $0x10  }
0x1a4: {  	[tilespmem:s7+$0x30] =	vst v5;
	v9 =	vmul.f32 v12, v9;
	v12 =	vshll.u32 v3, $0x10  }
0x1a5: {  	[tilespmem:s6+$0x0] =	vst.add.f32.msk $0xffff, v2;
	v11 =	vmul.f32 v12, v14  }
0x1a6: {  	[tilespmem:s7+$0x20] =	vst v9  }
0x1a7: {  	v10 =	vshll.u32 v4, $0x10;
	[tilespmem:s7+$0x40] =	vst v11  }
0x1a8: {  	v9 =	vshll.u32 v0, $0x10;
	v10 =	vmul.f32 v10, v13;
	[tilespmem:s9+$0x0] =	vst.add.f32.msk $0xffff, v1  }
0x1a9: {  	v5 =	vmul.f32 v9, v15;
	[tilespmem:s16+$0x0] =	vst.add.f32.msk $0xffff, v3  }
0x1aa: {  	v9 =	vshll.u32 v8, $0x10;
	[tilespmem:s7+$0x50] =	vst v10  }
0x1ab: {  	[tilespmem:s7+$0x60] =	vst v5;
	v5 =	vmul.f32 v9, v7  }
0x1ac: {  	[tilespmem:s20+$0x0] =	vst.add.f32.msk $0xffff, v4  }
0x1ad: {  	[tilespmem:s8+$0x10080] =	vst v5  }
0x1ae: {  	s0 =	rddreg [dreg:$0xb]  }
0x1af: {  	s0 =	sadd.s32 s30, s0  }
0x1b0: {  	s10 =	rddreg [dreg:$0x2];
	[tilespmem:s26+$0x0] =	vst.add.f32.msk $0xffff, v0;
	s0 =	sshll.u32 s0, $0xC  }
0x1b1: {  	s1 =	simm.s32 $0x5;
	s12 =	simm.s32 $0x10080;
	[tilespmem:s8+$0x10080] =	vst.add.f32.msk $0xffff, v8;
	s0 =	sadd.s32 s10, s0  }
0x1b2: {  	[hbm4b:s0+s4] =	stream.linear.scatter [tilespmem:s12], [sflag:$0x6], $0x8000, $0x38;
	[tilespmem:$0x18080] =	vst v63  }
0x1b3: {  	_ =	swait.ge [sflag:s1], $0x8000  }
0x1b4: {  	s13 =	rddreg [dreg:$0x10]  }
0x1b5: {  	[sflag:s1] =	ssyncset.done $0x0;
	s0 =	rddreg [dreg:$0xc];
	p0 =	seq.s32 s13, $0x14  }
0x1b6: {  	[sflag:s1] =	ssyncadd.s32 $0xFFFF8000;
	s0 =	sadd.s32 @!p0 s30, s0  }
0x1b7: {  	s23 =	simm.s32 $0x1;
	s9 =	rddreg [dreg:$0x0];
	s0 =	sshll.u32 @!p0 s0, $0xC  }
0x1b8: {  	s1 =	simm.s32 @!p0 $0x0;
	s2 =	simm.s32 @!p0 $0x8080;
	s0 =	sadd.s32 @!p0 s9, s0  }
0x1b9: {  	[tilespmem:s2], [sflag:$0x2] =	stream.linear.gather @!p0 [hbm4b:s0+s1], $0x8000, $0x38;
	[tilespmem:$0x18080] =	vst v63  }
0x1ba: {  	s24 =	simm.s32 $0x0;
	_ =	swait.ge [sflag:s23], $0x8000  }
0x1bb: {  	s25 =	sand.u32 $0x7C00, s24;
	s0 =	sand.u32 $0x380, s24;
	[sflag:s23] =	ssyncset.done $0x0  }
0x1bc: {  	s0 =	sor.u32 s0, s25;
	[sflag:s23] =	ssyncadd.s32 $0xFFFF8000  }
0x1bd: {  	v3 =	vld [tilespmem:s0+$0xF0]  }
0x1be: {  	v8 =	vld [tilespmem:s0+$0x80]  }
0x1bf: {  	v16 =	vld [tilespmem:s0+$0x90]  }
0x1c0: {  	v17 =	vld [tilespmem:s0+$0xA0]  }
0x1c1: {  	v9 =	vld [tilespmem:s0+$0xB0]  }
0x1c2: {  	s28 =	simm.s32 $0x400;
	s26 =	simm.s32 $0x4;
	v10 =	vld [tilespmem:s0+$0xC0]  }
0x1c3: {  	s2 =	sand.u32 $0x7C00, s28;
	s1 =	sand.u32 $0x380, s26;
	v11 =	vld [tilespmem:s0+$0xD0]  }
0x1c4: {  	s2 =	sor.u32 s1, s2;
	v14 =	vld [tilespmem:s0+$0xE0]  }
0x1c5: {  	v18 =	vld [tilespmem:s2+$0xF0]  }
0x1c6: {  	v0 =	vmul.f32 $5.333333490e+00, v3  }
0x1c7: {  	v1 =	vmul.f32 $5.333333490e+00, v8;
	v2 =	vmul.f32 $5.333333490e+00, v16  }
0x1c8: {  	v4 =	vmul.f32 $5.333333490e+00, v17;
	v5 =	vmul.f32 $5.333333490e+00, v9;
	v0 =	vadd.f32 $3.200000000e+01, v0  }
0x1c9: {  	v6 =	vmul.f32 $5.333333490e+00, v10;
	v7 =	vmul.f32 $5.333333490e+00, v11  }
0x1ca: {  	v12 =	vmul.f32 $5.333333490e+00, v14;
	v20 =	vmul.f32 $5.333333490e+00, v18;
	v0 =	vmax.f32 v0, $0.0e+00  }
0x1cb: {  	v1 =	vadd.f32 $3.200000000e+01, v1;
	v2 =	vadd.f32 $3.200000000e+01, v2;
	v0 =	vmin.f32 v0, $6.300000000e+01  }
0x1cc: {  	v4 =	vadd.f32 $3.200000000e+01, v4;
	v5 =	vadd.f32 $3.200000000e+01, v5;
	v0 =	vtrunc.f32 v0  }
0x1cd: {  	v6 =	vadd.f32 $3.200000000e+01, v6;
	v7 =	vadd.f32 $3.200000000e+01, v7;
	v0 =	vcvt.f32.s32 v0  }
0x1ce: {  	v12 =	vadd.f32 $3.200000000e+01, v12;
	v1 =	vmax.f32 v1, $0.0e+00;
	v2 =	vmax.f32 v2, $0.0e+00  }
0x1cf: {  	v4 =	vmax.f32 v4, $0.0e+00;
	v5 =	vmax.f32 v5, $0.0e+00;
	v6 =	vmax.f32 v6, $0.0e+00  }
0x1d0: {  	v7 =	vmax.f32 v7, $0.0e+00;
	v1 =	vmin.f32 v1, $6.300000000e+01;
	v5 =	vmin.f32 v5, $6.300000000e+01  }
0x1d1: {  	v6 =	vmin.f32 v6, $6.300000000e+01;
	v1 =	vtrunc.f32 v1;
	v15 =	vtrunc.f32 v5;
	v5 =	vld [tilespmem:s2+$0x90]  }
0x1d2: {  	v12 =	vmax.f32 v12, $0.0e+00;
	v6 =	vtrunc.f32 v6;
	v19 =	vcvt.f32.s32 v1;
	v1 =	vld [tilespmem:s2+$0xA0]  }
0x1d3: {  	v2 =	vmin.f32 v2, $6.300000000e+01;
	v4 =	vmin.f32 v4, $6.300000000e+01;
	v23 =	vcvt.f32.s32 v6;
	v13 =	vld.idx.msk [tilespmem:v0+s4+$0x0], $0xffff  }
0x1d4: {  	v6 =	vadd.f32 $3.200000000e+01, v20;
	v0 =	vtrunc.f32 v2;
	v2 =	vtrunc.f32 v4;
	v4 =	vld [tilespmem:s2+$0x80]  }
0x1d5: {  	v7 =	vmin.f32 v7, $6.300000000e+01;
	v12 =	vmin.f32 v12, $6.300000000e+01;
	v22 =	vcvt.f32.s32 v2;
	v2 =	vld [tilespmem:s2+$0xB0]  }
0x1d6: {  	v12 =	vtrunc.f32 v12;
	v25 =	vmax.f32 v6, $0.0e+00;
	v21 =	vcvt.f32.s32 v0;
	v0 =	vld [tilespmem:s2+$0xC0]  }
0x1d7: {  	v7 =	vtrunc.f32 v7;
	v24 =	vcvt.f32.s32 v12;
	v25 =	vmin.f32 v25, $6.300000000e+01  }
0x1d8: {  	v26 =	vmul.f32 $5.333333490e+00, v5;
	v25 =	vtrunc.f32 v25  }
0x1d9: {  	v6 =	vld [tilespmem:s2+$0xE0];
	v27 =	vmul.f32 $5.333333490e+00, v1;
	v25 =	vcvt.f32.s32 v25;
	v20 =	vshll.u32 v13, $0x10  }
0x1da: {  	v12 =	vmul.f32 v20, v3;
	v20 =	vmul.f32 $5.333333490e+00, v4  }
0x1db: {  	v26 =	vadd.f32 $3.200000000e+01, v26;
	v3 =	vld [tilespmem:s2+$0xD0];
	v28 =	vmul.f32 $5.333333490e+00, v2;
	v29 =	vmul.f32 $5.333333490e+00, v0  }
0x1dc: {  	v15 =	vcvt.f32.s32 v15;
	v20 =	vadd.f32 $3.200000000e+01, v20;
	[tilespmem:s0+$0xF0] =	vst v12;
	v12 =	vadd.f32 $3.200000000e+01, v27  }
0x1dd: {  	v7 =	vcvt.f32.s32 v7;
	v30 =	vld.idx.msk [tilespmem:v21+s4+$0x0], $0xffff;
	v27 =	vadd.f32 $3.200000000e+01, v28;
	v28 =	vadd.f32 $3.200000000e+01, v29  }
0x1de: {  	v26 =	vmax.f32 v26, $0.0e+00;
	v29 =	vld.idx.msk [tilespmem:v19+s4+$0x0], $0xffff;
	v19 =	vmul.f32 $5.333333490e+00, v6;
	v20 =	vmax.f32 v20, $0.0e+00  }
0x1df: {  	[tilespmem:s0+$0xF0] =	vst.add.f32.msk $0xffff, v13;
	v12 =	vmax.f32 v12, $0.0e+00;
	v27 =	vmax.f32 v27, $0.0e+00;
	v21 =	vmax.f32 v28, $0.0e+00  }
0x1e0: {  	v28 =	vld.idx.msk [tilespmem:v22+s4+$0x0], $0xffff;
	v19 =	vadd.f32 $3.200000000e+01, v19;
	v22 =	vmin.f32 v26, $6.300000000e+01;
	v13 =	vmul.f32 $5.333333490e+00, v3  }
0x1e1: {  	v25 =	vld.idx.msk [tilespmem:v25+s4+$0x0], $0xffff;
	v20 =	vmin.f32 v20, $6.300000000e+01;
	v12 =	vmin.f32 v12, $6.300000000e+01;
	v26 =	vmin.f32 v27, $6.300000000e+01  }
0x1e2: {  	s29 =	simm.s32 $0x8;
	s31 =	simm.s32 $0x800;
	v27 =	vld.idx.msk [tilespmem:v15+s4+$0x0], $0xffff;
	v15 =	vmax.f32 v19, $0.0e+00;
	v19 =	vtrunc.f32 v20;
	v20 =	vtrunc.f32 v22  }
0x1e3: {  	s3 =	sand.u32 $0x7C00, s31;
	s1 =	sand.u32 $0x380, s29;
	v49 =	vld.idx.msk [tilespmem:v23+s4+$0x0], $0xffff;
	v21 =	vmin.f32 v21, $6.300000000e+01;
	v22 =	vtrunc.f32 v12;
	v23 =	vtrunc.f32 v26  }
0x1e4: {  	s5 =	sor.u32 s1, s3;
	v12 =	vld.idx.msk [tilespmem:v7+s4+$0x0], $0xffff;
	v26 =	vtrunc.f32 v21;
	v51 =	vshll.u32 v30, $0x10;
	v13 =	vadd.f32 $3.200000000e+01, v13  }
0x1e5: {  	v21 =	vld [tilespmem:s5+$0xF0];
	v7 =	vmin.f32 v15, $6.300000000e+01;
	v19 =	vcvt.f32.s32 v19;
	v20 =	vcvt.f32.s32 v20  }
0x1e6: {  	v15 =	vld.idx.msk [tilespmem:v24+s4+$0x0], $0xffff;
	v24 =	vshll.u32 v29, $0x10;
	v22 =	vcvt.f32.s32 v22;
	v33 =	vmul.f32 v51, v16  }
0x1e7: {  	v50 =	vtrunc.f32 v7;
	v7 =	vshll.u32 v25, $0x10;
	v24 =	vmul.f32 v24, v8;
	v8 =	vld [tilespmem:s5+$0xA0]  }
0x1e8: {  	v23 =	vcvt.f32.s32 v23;
	v13 =	vmax.f32 v13, $0.0e+00;
	v18 =	vmul.f32 v7, v18;
	v7 =	vld [tilespmem:s5+$0x90];
	[tilespmem:s0+$0x90] =	vst v33  }
0x1e9: {  	v26 =	vcvt.f32.s32 v26;
	v52 =	vshll.u32 v28, $0x10;
	v13 =	vmin.f32 v13, $6.300000000e+01;
	[tilespmem:s0+$0x90] =	vst.add.f32.msk $0xffff, v30  }
0x1ea: {  	v32 =	vcvt.f32.s32 v50;
	v36 =	vshll.u32 v27, $0x10;
	v31 =	vtrunc.f32 v13;
	v13 =	vld [tilespmem:s5+$0x80];
	[tilespmem:s2+$0xF0] =	vst v18  }
0x1eb: {  	v34 =	vmul.f32 v52, v17;
	v18 =	vshll.u32 v49, $0x10;
	v17 =	vmul.f32 $5.333333490e+00, v21;
	[tilespmem:s2+$0xF0] =	vst.add.f32.msk $0xffff, v25  }
0x1ec: {  	v16 =	vshll.u32 v12, $0x10;
	v31 =	vcvt.f32.s32 v31;
	v37 =	vmul.f32 v18, v10;
	v10 =	vld [tilespmem:s5+$0xC0]  }
0x1ed: {  	v38 =	vmul.f32 v16, v11;
	v11 =	vld [tilespmem:s5+$0xD0];
	v17 =	vadd.f32 $3.200000000e+01, v17;
	v39 =	vmul.f32 $5.333333490e+00, v8  }
0x1ee: {  	v25 =	vmul.f32 v36, v9;
	v9 =	vld [tilespmem:s5+$0xB0];
	v53 =	vshll.u32 v15, $0x10;
	v18 =	vmul.f32 $5.333333490e+00, v7  }
0x1ef: {  	[tilespmem:s0+$0x80] =	vst v24;
	v36 =	vmul.f32 v53, v14;
	v14 =	vld [tilespmem:s5+$0xE0];
	v17 =	vmax.f32 v17, $0.0e+00;
	v24 =	vadd.f32 $3.200000000e+01, v39  }
0x1f0: {  	[tilespmem:s0+$0x80] =	vst.add.f32.msk $0xffff, v29;
	v16 =	vmul.f32 $5.333333490e+00, v13;
	v41 =	vadd.f32 $3.200000000e+01, v18;
	v18 =	vmin.f32 v17, $6.300000000e+01  }
0x1f1: {  	[tilespmem:s0+$0xA0] =	vst v34;
	v17 =	vld.idx.msk [tilespmem:v20+s4+$0x0], $0xffff;
	v20 =	vmul.f32 $5.333333490e+00, v10;
	v55 =	vtrunc.f32 v18  }
0x1f2: {  	[tilespmem:s0+$0xA0] =	vst.add.f32.msk $0xffff, v28;
	v56 =	vmul.f32 $5.333333490e+00, v11;
	v24 =	vmax.f32 v24, $0.0e+00;
	v40 =	vadd.f32 $3.200000000e+01, v16  }
0x1f3: {  	[tilespmem:s0+$0xB0] =	vst v25;
	v16 =	vld.idx.msk [tilespmem:v19+s4+$0x0], $0xffff;
	v19 =	vmul.f32 $5.333333490e+00, v9;
	v39 =	vcvt.f32.s32 v55;
	v25 =	vmax.f32 v41, $0.0e+00  }
0x1f4: {  	[tilespmem:s0+$0xB0] =	vst.add.f32.msk $0xffff, v27;
	v58 =	vmul.f32 $5.333333490e+00, v14;
	v61 =	vmin.f32 v24, $6.300000000e+01;
	v57 =	vadd.f32 $3.200000000e+01, v20  }
0x1f5: {  	v18 =	vld.idx.msk [tilespmem:v22+s4+$0x0], $0xffff;
	v34 =	vadd.f32 $3.200000000e+01, v56;
	v25 =	vmin.f32 v25, $6.300000000e+01;
	v30 =	vtrunc.f32 v61  }
0x1f6: {  	v54 =	vmax.f32 v40, $0.0e+00;
	v22 =	vadd.f32 $3.200000000e+01, v19;
	v19 =	vld.idx.msk [tilespmem:v23+s4+$0x0], $0xffff;
	v60 =	vadd.f32 $3.200000000e+01, v58  }
0x1f7: {  	v23 =	vld.idx.msk [tilespmem:v31+s4+$0x0], $0xffff;
	v31 =	vmin.f32 v54, $6.300000000e+01;
	v59 =	vmax.f32 v57, $0.0e+00;
	v24 =	vmax.f32 v34, $0.0e+00  }
0x1f8: {  	v20 =	vld.idx.msk [tilespmem:v26+s4+$0x0], $0xffff;
	v34 =	vtrunc.f32 v25;
	v26 =	vmax.f32 v22, $0.0e+00;
	v29 =	vmin.f32 v59, $6.300000000e+01  }
0x1f9: {  	[tilespmem:s0+$0xC0] =	vst v37;
	v22 =	vld.idx.msk [tilespmem:v32+s4+$0x0], $0xffff;
	v62 =	vmax.f32 v60, $0.0e+00;
	v31 =	vtrunc.f32 v31;
	v63 =	vmin.f32 v24, $6.300000000e+01  }
0x1fa: {  	[tilespmem:s0+$0xD0] =	vst v38;
	v27 =	vshll.u32 v18, $0x10;
	v26 =	vmin.f32 v26, $6.300000000e+01;
	v37 =	vmin.f32 v62, $6.300000000e+01;
	v24 =	vld.idx.msk [tilespmem:v39+s4+$0x0], $0xffff  }
0x1fb: {  	[tilespmem:s0+$0xE0] =	vst v36;
	v25 =	vshll.u32 v16, $0x10;
	v29 =	vtrunc.f32 v29;
	v32 =	vtrunc.f32 v63  }
0x1fc: {  	s6 =	simm.s32 $0xC00;
	s1 =	simm.s32 $0x10;
	s3 =	simm.s32 $0xC;
	[tilespmem:s0+$0xC0] =	vst.add.f32.msk $0xffff, v49;
	v33 =	vtrunc.f32 v26;
	v26 =	vshll.u32 v17, $0x10;
	v28 =	vtrunc.f32 v37  }
.LBB2_9:
0x1fd: {  	s7 =	sand.u32 $0x7C00, s6;
	s8 =	sand.u32 $0x380, s3;
	v31 =	vcvt.f32.s32 v31;
	v34 =	vcvt.f32.s32 v34;
	v35 =	vshll.u32 v19, $0x10;
	[tilespmem:s0+$0xD0] =	vst.add.f32.msk $0xffff, v12;
	v12 =	vmovc v23  }
0x1fe: {  	s1 =	sadd.s32 $0x8, s1;
	v23 =	vcvt.f32.s32 v30;
	v30 =	vcvt.f32.s32 v33;
	v33 =	vshll.u32 v20, $0x10;
	s7 =	sor.u32 s8, s7;
	[tilespmem:s0+$0xE0] =	vst.add.f32.msk $0xffff, v15;
	v15 =	vmovc v22;
	s0 =	smov.u32 s2  }
0x1ff: {  	v29 =	vcvt.f32.s32 v29;
	v32 =	vcvt.f32.s32 v32;
	p1 =	slt.u32 s1, $0x7F8;
	v36 =	vshll.u32 v24, $0x10;
	s2 =	smov.u32 s5;
	v22 =	vld [tilespmem:s7+$0xF0];
	s5 =	smov.u32 s7  }
0x200: {  	v28 =	vcvt.f32.s32 v28;
	v21 =	vmul.f32 v36, v21;
	v36 =	vshll.u32 v12, $0x10;
	v37 =	vld [tilespmem:s5+$0x80]  }
0x201: {  	v25 =	vmul.f32 v25, v4;
	v26 =	vmul.f32 v26, v5;
	v4 =	vmovc v13;
	v5 =	vmovc v7;
	v38 =	vshll.u32 v15, $0x10;
	v7 =	vld [tilespmem:s5+$0x90]  }
0x202: {  	v27 =	vmul.f32 v27, v1;
	v1 =	vmovc v8;
	v35 =	vmul.f32 v35, v2;
	v2 =	vmov v9;
	[tilespmem:s2+$0xF0] =	vst v21;
	v8 =	vld [tilespmem:s5+$0xA0]  }
0x203: {  	[tilespmem:s2+$0xF0] =	vst.add.f32.msk $0xffff, v24;
	v24 =	vmul.f32 v33, v0;
	v33 =	vmul.f32 v36, v3;
	v0 =	vmovc v10;
	v3 =	vmov v11  }
0x204: {  	v9 =	vld [tilespmem:s5+$0xB0];
	v36 =	vmul.f32 $5.333333490e+00, v22;
	[tilespmem:s0+$0x80] =	vst v25;
	v25 =	vmul.f32 v38, v6;
	v21 =	vmovc v22;
	v6 =	vmov v14  }
0x205: {  	v14 =	vmul.f32 $5.333333490e+00, v37;
	v10 =	vld [tilespmem:s5+$0xC0];
	[tilespmem:s0+$0x90] =	vst v26;
	v13 =	vmov v37  }
0x206: {  	v22 =	vmul.f32 $5.333333490e+00, v7;
	v11 =	vld [tilespmem:s5+$0xD0];
	v26 =	vadd.f32 $3.200000000e+01, v36;
	[tilespmem:s0+$0xA0] =	vst v27  }
0x207: {  	v27 =	vadd.f32 $3.200000000e+01, v14;
	v36 =	vmul.f32 $5.333333490e+00, v8;
	v14 =	vld [tilespmem:s5+$0xE0];
	[tilespmem:s0+$0xB0] =	vst v35  }
0x208: {  	v22 =	vadd.f32 $3.200000000e+01, v22;
	v26 =	vmax.f32 v26, $0.0e+00;
	v31 =	vld.idx.msk [tilespmem:v31+s4+$0x0], $0xffff;
	[tilespmem:s0+$0xC0] =	vst v24  }
0x209: {  	v24 =	vadd.f32 $3.200000000e+01, v36;
	v35 =	vmul.f32 $5.333333490e+00, v9;
	v26 =	vmin.f32 v26, $6.300000000e+01;
	v34 =	vld.idx.msk [tilespmem:v34+s4+$0x0], $0xffff;
	[tilespmem:s0+$0xD0] =	vst v33  }
0x20a: {  	v27 =	vmax.f32 v27, $0.0e+00;
	v33 =	vmul.f32 $5.333333490e+00, v10;
	v26 =	vtrunc.f32 v26;
	v36 =	vld.idx.msk [tilespmem:v23+s4+$0x0], $0xffff;
	[tilespmem:s0+$0xE0] =	vst v25  }
0x20b: {  	v23 =	vadd.f32 $3.200000000e+01, v35;
	v25 =	vmul.f32 $5.333333490e+00, v11;
	v26 =	vcvt.f32.s32 v26;
	v35 =	vld.idx.msk [tilespmem:v30+s4+$0x0], $0xffff  }
0x20c: {  	v30 =	vmax.f32 v22, $0.0e+00;
	v22 =	vadd.f32 $3.200000000e+01, v33;
	v33 =	vmul.f32 $5.333333490e+00, v14;
	v37 =	vld.idx.msk [tilespmem:v29+s4+$0x0], $0xffff  }
0x20d: {  	v24 =	vmax.f32 v24, $0.0e+00;
	v29 =	vmax.f32 v23, $0.0e+00;
	v25 =	vadd.f32 $3.200000000e+01, v25;
	v23 =	vld.idx.msk [tilespmem:v32+s4+$0x0], $0xffff  }
0x20e: {  	v27 =	vmin.f32 v27, $6.300000000e+01;
	v32 =	vmax.f32 v22, $0.0e+00;
	v33 =	vadd.f32 $3.200000000e+01, v33;
	v22 =	vld.idx.msk [tilespmem:v28+s4+$0x0], $0xffff  }
0x20f: {  	v28 =	vmin.f32 v30, $6.300000000e+01;
	v30 =	vmin.f32 v24, $6.300000000e+01;
	v24 =	vmax.f32 v25, $0.0e+00;
	[tilespmem:s0+$0x80] =	vst.add.f32.msk $0xffff, v16;
	v16 =	vmovc v31  }
.Ltmp5:
0x210: {  	v29 =	vmin.f32 v29, $6.300000000e+01;
	v32 =	vmin.f32 v32, $6.300000000e+01;
	v25 =	vmax.f32 v33, $0.0e+00;
	[tilespmem:s0+$0x90] =	vst.add.f32.msk $0xffff, v17;
	v17 =	vmovc v34;
	(pc) =	sbr.rel @p1 .LBB2_9-.Ltmp5, $4  }
0x211: {  	v31 =	vtrunc.f32 v27;
	v27 =	vmin.f32 v24, $6.300000000e+01;
	v38 =	vmin.f32 v25, $6.300000000e+01;
	v24 =	vld.idx.msk [tilespmem:v26+s4+$0x0], $0xffff  }
0x212: {  	v30 =	vtrunc.f32 v30;
	v34 =	vtrunc.f32 v28;
	v25 =	vshll.u32 v16, $0x10;
	[tilespmem:s0+$0xA0] =	vst.add.f32.msk $0xffff, v18;
	v18 =	vmovc v36  }
0x213: {  	v33 =	vtrunc.f32 v29;
	v29 =	vtrunc.f32 v32;
	v26 =	vshll.u32 v17, $0x10;
	[tilespmem:s0+$0xB0] =	vst.add.f32.msk $0xffff, v19;
	v19 =	vmovc v35  }
0x214: {  	s3 =	sadd.s32 $0x4, s3;
	s6 =	sadd.s32 $0x400, s6;
	v32 =	vtrunc.f32 v27;
	v28 =	vtrunc.f32 v38;
	v27 =	vshll.u32 v18, $0x10;
	[tilespmem:s0+$0xC0] =	vst.add.f32.msk $0xffff, v20;
	v20 =	vmovc v37  }
0x215: {  	[tilespmem:s0+$0xD0] =	vst.add.f32.msk $0xffff, v12;
	v4 =	vmul.f32 v25, v4  }
0x216: {  	[tilespmem:s0+$0xE0] =	vst.add.f32.msk $0xffff, v15;
	v5 =	vmul.f32 v26, v5  }
0x217: {  	v45 =	vshll.u32 v19, $0x10;
	v1 =	vmul.f32 v27, v1;
	[tilespmem:s2+$0x80] =	vst v4  }
0x218: {  	v48 =	vshll.u32 v20, $0x10;
	v2 =	vmul.f32 v45, v2;
	[tilespmem:s2+$0x90] =	vst v5  }
0x219: {  	v0 =	vmul.f32 v48, v0;
	[tilespmem:s2+$0xA0] =	vst v1  }
0x21a: {  	[tilespmem:s2+$0xB0] =	vst v2  }
0x21b: {  	v31 =	vcvt.f32.s32 v31;
	[tilespmem:s2+$0xC0] =	vst v0  }
0x21c: {  	v34 =	vcvt.f32.s32 v34;
	[tilespmem:s2+$0x80] =	vst.add.f32.msk $0xffff, v16  }
0x21d: {  	v41 =	vcvt.f32.s32 v30;
	[tilespmem:s2+$0x90] =	vst.add.f32.msk $0xffff, v17  }
0x21e: {  	v42 =	vcvt.f32.s32 v33;
	[tilespmem:s2+$0xA0] =	vst.add.f32.msk $0xffff, v18  }
0x21f: {  	v43 =	vcvt.f32.s32 v29;
	[tilespmem:s2+$0xB0] =	vst.add.f32.msk $0xffff, v19  }
0x220: {  	v50 =	vshll.u32 v23, $0x10;
	[tilespmem:s2+$0xC0] =	vst.add.f32.msk $0xffff, v20  }
0x221: {  	v52 =	vshll.u32 v22, $0x10;
	v3 =	vmul.f32 v50, v3;
	v47 =	vld.idx.msk [tilespmem:v31+s4+$0x0], $0xffff  }
0x222: {  	v35 =	vshll.u32 v24, $0x10;
	v6 =	vmul.f32 v52, v6;
	v49 =	vld.idx.msk [tilespmem:v34+s4+$0x0], $0xffff  }
0x223: {  	v21 =	vmul.f32 v35, v21;
	[tilespmem:s2+$0xD0] =	vst v3;
	v51 =	vld.idx.msk [tilespmem:v41+s4+$0x0], $0xffff  }
0x224: {  	[tilespmem:s2+$0xE0] =	vst v6;
	v53 =	vld.idx.msk [tilespmem:v42+s4+$0x0], $0xffff  }
0x225: {  	v44 =	vcvt.f32.s32 v32;
	[tilespmem:s5+$0xF0] =	vst v21;
	v54 =	vld.idx.msk [tilespmem:v43+s4+$0x0], $0xffff  }
0x226: {  	v46 =	vcvt.f32.s32 v28;
	[tilespmem:s2+$0xD0] =	vst.add.f32.msk $0xffff, v23;
	v57 =	vshll.u32 v47, $0x10  }
0x227: {  	[tilespmem:s2+$0xE0] =	vst.add.f32.msk $0xffff, v22;
	v58 =	vshll.u32 v49, $0x10;
	v12 =	vmul.f32 v57, v13  }
0x228: {  	[tilespmem:s5+$0xF0] =	vst.add.f32.msk $0xffff, v24;
	v59 =	vshll.u32 v51, $0x10;
	v7 =	vmul.f32 v58, v7  }
0x229: {  	v60 =	vshll.u32 v53, $0x10;
	v8 =	vmul.f32 v59, v8;
	[tilespmem:s5+$0x80] =	vst v12  }
0x22a: {  	v61 =	vshll.u32 v54, $0x10;
	v9 =	vmul.f32 v60, v9;
	[tilespmem:s5+$0x90] =	vst v7  }
0x22b: {  	v55 =	vld.idx.msk [tilespmem:v44+s4+$0x0], $0xffff;
	v10 =	vmul.f32 v61, v10;
	[tilespmem:s5+$0xA0] =	vst v8  }
0x22c: {  	v56 =	vld.idx.msk [tilespmem:v46+s4+$0x0], $0xffff;
	[tilespmem:s5+$0xB0] =	vst v9  }
0x22d: {  	[tilespmem:s5+$0xC0] =	vst v10  }
0x22e: {  	[tilespmem:s5+$0x80] =	vst.add.f32.msk $0xffff, v47  }
0x22f: {  	[tilespmem:s5+$0x90] =	vst.add.f32.msk $0xffff, v49  }
0x230: {  	v62 =	vshll.u32 v55, $0x10;
	[tilespmem:s5+$0xA0] =	vst.add.f32.msk $0xffff, v51  }
0x231: {  	v63 =	vshll.u32 v56, $0x10;
	v7 =	vmul.f32 v62, v11;
	[tilespmem:s5+$0xB0] =	vst.add.f32.msk $0xffff, v53  }
0x232: {  	v8 =	vmul.f32 v63, v14;
	[tilespmem:s5+$0xC0] =	vst.add.f32.msk $0xffff, v54  }
0x233: {  	[tilespmem:s5+$0xD0] =	vst v7  }
0x234: {  	[tilespmem:s5+$0xE0] =	vst v8  }
0x235: {  	[tilespmem:s5+$0xD0] =	vst.add.f32.msk $0xffff, v55  }
0x236: {  	[tilespmem:s5+$0xE0] =	vst.add.f32.msk $0xffff, v56  }
0x237: {  	s11 =	simm.s32 $0x80;
	s0 =	rddreg [dreg:$0x11]  }
.Ltmp6:
0x238: {  	s31 =	simm.s32 $0x6;
	s0 =	sadd.s32 s10, s0;
	(pc) =	sbr.rel @p0 .LBB2_12-.Ltmp6, $4  }
0x239: {  	[hbm4b:s0+s4] =	stream.linear.scatter [tilespmem:s11], [sflag:$0x4], $0x8000, $0x38;
	[tilespmem:$0x18080] =	vst v63  }
0x23a: {  	_ =	swait.ge [sflag:s31], $0x8000  }
0x23b: {  	[sflag:s31] =	ssyncset.done $0x0  }
0x23c: {  	[sflag:s31] =	ssyncadd.s32 $0xFFFF8000  }
.Ltmp7:
0x23d: {  	s0 =	rddreg [dreg:$0xd];
	(pc) =	sbr.rel .LBB2_4-.Ltmp7, $4  }
0x23e: {  	s0 =	sadd.s32 s30, s0  }
0x23f: {  	s0 =	sshll.u32 s0, $0xC  }
0x240: {  	s13 =	sadd.s32 $0x1, s13;
	s0 =	sadd.s32 s9, s0  }
0x241: {  	[tilespmem:s12], [sflag:$0x3] =	stream.linear.gather [hbm4b:s0+s4], $0x8000, $0x38;
	[tilespmem:$0x18080] =	vst v63  }
.LBB2_13:
0x242: {  	_ =	sfence.sel $0x180000  }
0x243: {  	[bflag:$0x0] =	sbarrier.arrive $0xFFFF  }
0x244: {  	_ =	strace $0x90000047  }
0x245: {  	s0 =	stileid.u32;
	[bflag:$0x2] =	sbarrier.arrive $0xFFFF  }
0x246: {  	p0 =	sne.s32 s0, $0x0;
	s0 =	rddreg [dreg:$0x3]  }
0x247: {  	s0 =	sadd.s32 @!p0 $0x100000, s0  }
0x248: {  	[sflag:s0] =	ssyncadd.tile.s32 @!p0 $0x1;
	_ =	shalt  }
.Lfunc_end2:
_tile_overlayer_lowered:
.L_overlay_start_2:
0x249: {  	(tag) =	ssettag $0x2  }
0x24a: {  	s0 =	rddreg [dreg:$0x0];
	s2 =	stileid.u32  }
0x24b: {  	s1 =	rddreg [dreg:$0x1];
	p0 =	sne.s32 s2, $0x0  }
0x24c: {  	s3 =	rddreg [dreg:$0x2];
	[bflag:$0x3] =	sbarrier.arrive $0xFFFF;
	s2 =	simm.s32 @!p0 $0x1C08  }
0x24d: {  	[timem:s3], [sflag:s2] =	dma.local @!p0 [hbm:s0], s1  }
0x24e: {  	s0 =	simm.s32 @!p0 $0x8  }
0x24f: {  	_ =	swait.ge @!p0 [sflag:s0], s1  }
0x250: {  	s1 =	ssub.s32 @!p0 $0x0, s1;
	[sflag:s0] =	ssyncset.done @!p0 $0x0  }
0x251: {  	[sflag:s0] =	ssyncadd.s32 @!p0 s1  }
0x252: {  	[bflag:$0x3] =	sbarrier.arrive $0xFFFF  }
0x253: {  	_ =	shalt  }

</sc_bundles>
